<compile_context>
chip_gen: v7x
topology: tpu7x:2x2x1
jax: 0.10.2.dev20260603
libtpu: 0.0.44.dev20260713+nightly
codegen_flags: <defaults>
</compile_context>

<pallas_src>
import functools

import jax
import jax.numpy as jnp
from jax import lax
from jax.experimental import pallas as pl
from jax.experimental.pallas import tpu as pltpu
from jax.experimental.pallas import tpu_sc as plsc

_K = 16
_TR = 256
_TC = 256
_W = _K + _TC
_BIG = 2**30
_INF = jnp.inf
_NW = 32


def _knn_body(lo_ref, cnt_ref, coords_ref, coordsT_ref, brow_ref, bcol_ref,
              out_idx_ref):
    i = pl.program_id(0)
    dstT = coordsT_ref[:, pl.ds(i * _TR, _TR)]
    bd = bcol_ref[:, pl.ds(i * _TR, _TR)]
    sqd = jnp.sum(dstT * dstT, axis=0, keepdims=True)

    sub16 = jax.lax.broadcasted_iota(jnp.int32, (_K, _TR), 0)
    subW = jax.lax.broadcasted_iota(jnp.int32, (_W, _TR), 0)

    def col_body(j, carry):
        bval, bidx = carry
        c0 = (lo_ref[i] + j) * _TC
        src = coords_ref[pl.ds(c0, _TC), :]
        bs = brow_ref[pl.ds(c0, _TC), :]
        m2 = jnp.dot(src, dstT, preferred_element_type=jnp.float32)
        sqs = jnp.sum(src * src, axis=1, keepdims=True)
        d2 = (sqd + sqs) - 2.0 * m2
        d2 = jnp.where(bs == bd, d2, _INF)
        cv = jnp.concatenate([bval, d2], axis=0)
        vals, idxs = [], []
        for r in range(_K):
            m = jnp.min(cv, axis=0, keepdims=True)
            pos = jnp.argmin(cv, axis=0)[None, :]
            gi = jnp.min(jnp.where(sub16 == pos, bidx, _BIG),
                         axis=0, keepdims=True)
            vals.append(m)
            idxs.append(jnp.where(pos < _K, gi, c0 + pos - _K))
            if r < _K - 1:
                cv = jnp.where(subW == pos, _INF, cv)
        return (jnp.concatenate(vals, axis=0), jnp.concatenate(idxs, axis=0))

    init = (jnp.full((_K, _TR), _INF, jnp.float32),
            jnp.full((_K, _TR), _BIG, jnp.int32))
    _, bi = jax.lax.fori_loop(0, cnt_ref[i], col_body, init)
    out_idx_ref[...] = bi


def _make_sc_compact(npad):
    npn = npad // _NW
    ngr = npn // _K
    mesh = plsc.VectorSubcoreMesh(core_axis_name="c", subcore_axis_name="s")

    @functools.partial(
        pl.kernel, mesh=mesh,
        compiler_params=pltpu.CompilerParams(needs_layout_passes=False),
        out_type=[
            jax.ShapeDtypeStruct((npad * (_K - 1),), jnp.int32),
            jax.ShapeDtypeStruct((npad * (_K - 1),), jnp.int32),
            jax.ShapeDtypeStruct((npad,), jnp.int32),
        ],
        scratch_types=[
            pltpu.VMEM((npn * _K,), jnp.int32),
            pltpu.VMEM((npn * (_K - 1),), jnp.int32),
            pltpu.VMEM((npn * (_K - 1),), jnp.int32),
            pltpu.VMEM((npn,), jnp.int32),
        ],
    )
    def sc_compact(idx_hbm, esrc_hbm, edst_hbm, deg_hbm,
                   idx_v, esrc_v, edst_v, deg_v):
        wid = lax.axis_index("s") * 2 + lax.axis_index("c")
        base = wid * npn
        pltpu.sync_copy(idx_hbm.at[pl.ds(base * _K, npn * _K)], idx_v)

        lane = lax.broadcasted_iota(jnp.int32, (_K,), 0)

        def group_body(g, carry):
            nloc = g * _K + lane
            nglob = base + nloc
            p = jnp.zeros((_K,), jnp.int32)
            c = jnp.zeros((_K,), jnp.int32)
            for j in range(_K):
                v = plsc.load_gather(idx_v, [nloc * _K + j])
                hit = v == nglob
                p = p + jnp.where(hit, j, 0)
                c = c + jnp.where(hit, 1, 0)
            p = jnp.where(c == 0, _K, p)
            deg_v[pl.ds(g * _K, _K)] = _K - c
            for t in range(_K - 1):
                jsel = t + jnp.where(p <= t, 1, 0)
                v = plsc.load_gather(idx_v, [nloc * _K + jsel])
                epos = nloc * (_K - 1) + t
                plsc.store_scatter(esrc_v, [epos], v)
                plsc.store_scatter(edst_v, [epos], nglob)
            return carry

        lax.fori_loop(0, ngr, group_body, 0)
        pltpu.sync_copy(esrc_v, esrc_hbm.at[pl.ds(base * (_K - 1),
                                                  npn * (_K - 1))])
        pltpu.sync_copy(edst_v, edst_hbm.at[pl.ds(base * (_K - 1),
                                                  npn * (_K - 1))])
        pltpu.sync_copy(deg_v, deg_hbm.at[pl.ds(base, npn)])

    return sc_compact


@jax.jit
def _knn_pallas(node_coord_src, batch_src):
    n = node_coord_src.shape[0]
    npad = ((n + _TC - 1) // _TC) * _TC
    nt = npad // _TR
    nb = 8

    coords8 = jnp.zeros((npad, 8), jnp.float32)
    coords8 = coords8.at[:n, :3].set(node_coord_src)
    coordsT = coords8.T
    brow = jnp.full((npad, 1), -1, jnp.int32).at[:n, 0].set(batch_src)
    bcol = jnp.full((1, npad), -2, jnp.int32).at[0, :n].set(batch_src)

    starts = jnp.searchsorted(batch_src, jnp.arange(nb, dtype=jnp.int32),
                              side="left").astype(jnp.int32)
    ends = jnp.searchsorted(batch_src, jnp.arange(nb, dtype=jnp.int32),
                            side="right").astype(jnp.int32)
    first = jnp.minimum(jnp.arange(nt, dtype=jnp.int32) * _TR, n - 1)
    last = jnp.minimum(first + _TR - 1, n - 1)
    lo_t = starts[batch_src[first]] // _TC
    hi_t = (ends[batch_src[last]] - 1) // _TC
    cnt_t = hi_t - lo_t + 1

    grid_spec = pltpu.PrefetchScalarGridSpec(
        num_scalar_prefetch=2,
        grid=(nt,),
        in_specs=[
            pl.BlockSpec((npad, 8), lambda i, lo, cnt: (0, 0)),
            pl.BlockSpec((8, npad), lambda i, lo, cnt: (0, 0)),
            pl.BlockSpec((npad, 1), lambda i, lo, cnt: (0, 0)),
            pl.BlockSpec((1, npad), lambda i, lo, cnt: (0, 0)),
        ],
        out_specs=[
            pl.BlockSpec((_K, _TR), lambda i, lo, cnt: (0, i)),
        ],
    )
    (out_idx,) = pl.pallas_call(
        _knn_body,
        grid_spec=grid_spec,
        out_shape=[
            jax.ShapeDtypeStruct((_K, nt * _TR), jnp.int32),
        ],
    )(lo_t, cnt_t, coords8, coordsT, brow, bcol)

    out_idx_nm = out_idx.T.reshape(-1)
    esrc, edst, deg = _make_sc_compact(npad)(out_idx_nm)
    return esrc, edst, deg


def kernel(node_coord_src, node_feature_src, batch_src):
    n = node_coord_src.shape[0]
    esrc, edst, deg = _knn_pallas(node_coord_src, batch_src)
    m = n * (_K - 1)
    return (node_feature_src, node_coord_src, esrc[:m], edst[:m], deg[:n],
            batch_src)

# --- scband reference (transcript-rebuilt; emitter-appended) ---
"""Pipeline reference for scband-knn-graph-33036888441074 (READ-ONLY COPY).

The authoritative reference and input builder live on the scoring server;
editing this copy changes nothing except your own understanding.
"""

import jax, jax.numpy as jnp
import numpy as np

N = 10000
D_FEAT = 128
N_BATCHES = 8
K = 16  # max_num_neighbors
R = 5.0  # stored but unused in forward (knn, not radius graph)


def setup_inputs(seed: int = 0) -> dict:
    key = jax.random.key(seed)
    k1, k2, k3 = jax.random.split(key, 3)
    node_coord_src = jax.random.normal(k1, (N, 3), dtype=jnp.float32) * 10.0
    node_feature_src = jax.random.normal(k2, (N, D_FEAT), dtype=jnp.float32)
    batch_src = jnp.sort(jax.random.randint(k3, (N,), 0, N_BATCHES, dtype=jnp.int32))
    return {
        "node_coord_src": node_coord_src,
        "node_feature_src": node_feature_src,
        "batch_src": batch_src,
    }


def _knn(coord, batch, k):
    # brute-force batched kNN: for each dst node, k nearest src nodes in same batch
    sq = jnp.sum(coord * coord, axis=1)
    d2 = sq[:, None] + sq[None, :] - 2.0 * (coord @ coord.T)  # [N_dst, N_src]
    same_batch = batch[:, None] == batch[None, :]
    d2 = jnp.where(same_batch, d2, jnp.inf)
    _, idx = jax.lax.top_k(-d2, k)  # [N, k] nearest src indices per dst row
    n = coord.shape[0]
    edge_dst = jnp.repeat(jnp.arange(n, dtype=idx.dtype), k)
    edge_src = idx.reshape(-1)
    return edge_dst, edge_src


def reference(node_coord_src, node_feature_src, batch_src):
    node_coord_dst = node_coord_src
    batch_dst = batch_src
    node_feature_dst = node_feature_src
    N_nodes = node_coord_dst.shape[0]
    edge_dst, edge_src = _knn(node_coord_src, batch_src, K)
    # remove self edges (fixed-shape stable compaction; each dst row contains
    # exactly one self edge, so the kept-edge count is N_nodes * (K - 1))
    non_self = edge_dst != edge_src
    M = N_nodes * (K - 1)
    pos = jnp.cumsum(non_self) - 1
    safe_pos = jnp.where(non_self, pos, M)
    edge_src = (
        jnp.zeros((M,), dtype=edge_src.dtype).at[safe_pos].set(edge_src, mode="drop")
    )
    edge_dst = (
        jnp.zeros((M,), dtype=edge_dst.dtype).at[safe_pos].set(edge_dst, mode="drop")
    )
    # degree = scatter_add of ones at edge_dst with dim_size = N_nodes
    degree = jnp.zeros((N_nodes,), dtype=edge_dst.dtype).at[edge_dst].add(
        jnp.ones_like(edge_dst)
    )
    return (node_feature_dst, node_coord_dst, edge_src, edge_dst, degree, batch_dst)

if __name__ == "__main__":
    import jax
    _d = setup_inputs()
    print(jax.jit(kernel)(*tuple(_d.values())))

</pallas_src>

<mosaic_0001>
#map = affine_map<(d0, d1) -> (0)>
module attributes {stable_mosaic.version = 14 : i64} {
  func.func @sc_compact(%arg0: i32, %arg1: i32, %arg2: memref<163840xi32, #tpu.memory_space<hbm>>, %arg3: memref<153600xi32, #tpu.memory_space<hbm>>, %arg4: memref<153600xi32, #tpu.memory_space<hbm>>, %arg5: memref<10240xi32, #tpu.memory_space<hbm>>, %arg6: memref<5120xi32, #tpu.memory_space<vmem>>, %arg7: memref<4800xi32, #tpu.memory_space<vmem>>, %arg8: memref<4800xi32, #tpu.memory_space<vmem>>, %arg9: memref<320xi32, #tpu.memory_space<vmem>>) attributes {dimension_semantics = [#tpu.dimension_semantics<core_parallel>, #tpu.dimension_semantics<subcore_parallel>], iteration_bounds = array<i64: 2, 16>, scalar_prefetch = 0 : i64, scratch_operands = 4 : i64, tpu.core_type = #tpu.core_type<sc_vector_subcore>, window_params = [{transform_indices = #map}, {transform_indices = #map}, {transform_indices = #map}, {transform_indices = #map}]} {
    %mul3A = arith.constant 2 : i32
    %mul3A_0 = arith.muli %arg1, %mul3A : i32
    %add3A = arith.addi %mul3A_0, %arg0 : i32
    %mul3A_1 = arith.constant 320 : i32
    %mul3A_2 = arith.muli %add3A, %mul3A_1 : i32
    %mul3A_3 = arith.constant 16 : i32
    %mul3A_4 = arith.muli %mul3A_2, %mul3A_3 : i32
    "tpu.region"() ({
      %run_scoped3A = tpu.sem_alloc : memref<!tpu.dma_semaphore, #tpu.memory_space<semaphore_mem>>
      %dma_start3A = tpu.memref_slice %arg2[%mul3A_4] : memref<163840xi32, #tpu.memory_space<hbm>> -> memref<5120xi32, #tpu.memory_space<hbm>>
      %dma_start3A_14 = tpu.memref_slice %arg2[%mul3A_4] : memref<163840xi32, #tpu.memory_space<hbm>> -> memref<5120xi32, #tpu.memory_space<hbm>>
      tpu.enqueue_dma source(%dma_start3A_14 : memref<5120xi32, #tpu.memory_space<hbm>>) target(%arg6 : memref<5120xi32, #tpu.memory_space<vmem>>) target_semaphore(%run_scoped3A : memref<!tpu.dma_semaphore, #tpu.memory_space<semaphore_mem>>)
      %dma_wait3A = tpu.memref_slice %arg2[%mul3A_4] : memref<163840xi32, #tpu.memory_space<hbm>> -> memref<5120xi32, #tpu.memory_space<hbm>>
      %dma_wait3A_15 = tpu.memref_slice %arg2[%mul3A_4] : memref<163840xi32, #tpu.memory_space<hbm>> -> memref<5120xi32, #tpu.memory_space<hbm>>
      tpu.wait_dma2 semaphore(%run_scoped3A : memref<!tpu.dma_semaphore, #tpu.memory_space<semaphore_mem>>) src(%dma_wait3A_15 : memref<5120xi32, #tpu.memory_space<hbm>>) dst(%arg6 : memref<5120xi32, #tpu.memory_space<vmem>>)
      tpu.yield
    }) : () -> ()
    %iota3A = tpu.iota {dimensions = array<i32: 0>} : vector<16xi32>
    %scan3A = arith.constant 0 : i32
    %scan3A_5 = arith.constant 0 : i32
    %scan3A_6 = arith.constant 20 : i32
    %scan3A_7 = arith.addi %scan3A_5, %scan3A_6 : i32
    %scan3A_8 = arith.constant 1 : i32
    scf.for %scan3A_14 = %scan3A_5 to %scan3A_7 step %scan3A_8  : i32 {
      %mul3A_15 = arith.constant 16 : i32
      %mul3A_16 = arith.muli %scan3A_14, %mul3A_15 : i32
      %add3A_17 = vector.broadcast %mul3A_16 : i32 to vector<16xi32>
      %add3A_18 = arith.addi %add3A_17, %iota3A : vector<16xi32>
      %add3A_19 = vector.broadcast %mul3A_2 : i32 to vector<16xi32>
      %add3A_20 = arith.addi %add3A_19, %add3A_18 : vector<16xi32>
      %broadcast_in_dim3A = arith.constant 0 : i32
      %broadcast_in_dim3A_21 = vector.broadcast %broadcast_in_dim3A : i32 to vector<16xi32>
      %broadcast_in_dim3A_22 = arith.constant 0 : i32
      %broadcast_in_dim3A_23 = vector.broadcast %broadcast_in_dim3A_22 : i32 to vector<16xi32>
      %mul3A_24 = arith.constant 16 : i32
      %mul3A_25 = vector.broadcast %mul3A_24 : i32 to vector<16xi32>
      %mul3A_26 = arith.muli %add3A_18, %mul3A_25 : vector<16xi32>
      %add3A_27 = arith.constant 0 : i32
      %add3A_28 = vector.broadcast %add3A_27 : i32 to vector<16xi32>
      %add3A_29 = arith.addi %mul3A_26, %add3A_28 : vector<16xi32>
      %gather3A = tpu.vector_load_idx %arg6[%add3A_29] : memref<5120xi32, #tpu.memory_space<vmem>>[vector<16xi32>], vector<16xi32>,
      %eq3A = arith.cmpi eq, %gather3A, %add3A_20 : vector<16xi32>
      %jit3A = arith.constant 0 : i32
      %jit3A_30 = arith.constant 0 : i32
      %broadcast_in_dim3A_31 = vector.broadcast %jit3A : i32 to vector<16xi32>
      %broadcast_in_dim3A_32 = vector.broadcast %jit3A_30 : i32 to vector<16xi32>
      %select_n3A = arith.select %eq3A, %broadcast_in_dim3A_31, %broadcast_in_dim3A_32 : vector<16xi1>, vector<16xi32>
      %add3A_33 = arith.addi %broadcast_in_dim3A_21, %select_n3A : vector<16xi32>
      %jit3A_34 = arith.constant 1 : i32
      %jit3A_35 = arith.constant 0 : i32
      %broadcast_in_dim3A_36 = vector.broadcast %jit3A_34 : i32 to vector<16xi32>
      %broadcast_in_dim3A_37 = vector.broadcast %jit3A_35 : i32 to vector<16xi32>
      %select_n3A_38 = arith.select %eq3A, %broadcast_in_dim3A_36, %broadcast_in_dim3A_37 : vector<16xi1>, vector<16xi32>
      %add3A_39 = arith.addi %broadcast_in_dim3A_23, %select_n3A_38 : vector<16xi32>
      %mul3A_40 = arith.constant 16 : i32
      %mul3A_41 = vector.broadcast %mul3A_40 : i32 to vector<16xi32>
      %mul3A_42 = arith.muli %add3A_18, %mul3A_41 : vector<16xi32>
      %add3A_43 = arith.constant 1 : i32
      %add3A_44 = vector.broadcast %add3A_43 : i32 to vector<16xi32>
      %add3A_45 = arith.addi %mul3A_42, %add3A_44 : vector<16xi32>
      %gather3A_46 = tpu.vector_load_idx %arg6[%add3A_45] : memref<5120xi32, #tpu.memory_space<vmem>>[vector<16xi32>], vector<16xi32>,
      %eq3A_47 = arith.cmpi eq, %gather3A_46, %add3A_20 : vector<16xi32>
      %jit3A_48 = arith.constant 1 : i32
      %jit3A_49 = arith.constant 0 : i32
      %broadcast_in_dim3A_50 = vector.broadcast %jit3A_48 : i32 to vector<16xi32>
      %broadcast_in_dim3A_51 = vector.broadcast %jit3A_49 : i32 to vector<16xi32>
      %select_n3A_52 = arith.select %eq3A_47, %broadcast_in_dim3A_50, %broadcast_in_dim3A_51 : vector<16xi1>, vector<16xi32>
      %add3A_53 = arith.addi %add3A_33, %select_n3A_52 : vector<16xi32>
      %jit3A_54 = arith.constant 1 : i32
      %jit3A_55 = arith.constant 0 : i32
      %broadcast_in_dim3A_56 = vector.broadcast %jit3A_54 : i32 to vector<16xi32>
      %broadcast_in_dim3A_57 = vector.broadcast %jit3A_55 : i32 to vector<16xi32>
      %select_n3A_58 = arith.select %eq3A_47, %broadcast_in_dim3A_56, %broadcast_in_dim3A_57 : vector<16xi1>, vector<16xi32>
      %add3A_59 = arith.addi %add3A_39, %select_n3A_58 : vector<16xi32>
      %mul3A_60 = arith.constant 16 : i32
      %mul3A_61 = vector.broadcast %mul3A_60 : i32 to vector<16xi32>
      %mul3A_62 = arith.muli %add3A_18, %mul3A_61 : vector<16xi32>
      %add3A_63 = arith.constant 2 : i32
      %add3A_64 = vector.broadcast %add3A_63 : i32 to vector<16xi32>
      %add3A_65 = arith.addi %mul3A_62, %add3A_64 : vector<16xi32>
      %gather3A_66 = tpu.vector_load_idx %arg6[%add3A_65] : memref<5120xi32, #tpu.memory_space<vmem>>[vector<16xi32>], vector<16xi32>,
      %eq3A_67 = arith.cmpi eq, %gather3A_66, %add3A_20 : vector<16xi32>
      %jit3A_68 = arith.constant 2 : i32
      %jit3A_69 = arith.constant 0 : i32
      %broadcast_in_dim3A_70 = vector.broadcast %jit3A_68 : i32 to vector<16xi32>
      %broadcast_in_dim3A_71 = vector.broadcast %jit3A_69 : i32 to vector<16xi32>
      %select_n3A_72 = arith.select %eq3A_67, %broadcast_in_dim3A_70, %broadcast_in_dim3A_71 : vector<16xi1>, vector<16xi32>
      %add3A_73 = arith.addi %add3A_53, %select_n3A_72 : vector<16xi32>
      %jit3A_74 = arith.constant 1 : i32
      %jit3A_75 = arith.constant 0 : i32
      %broadcast_in_dim3A_76 = vector.broadcast %jit3A_74 : i32 to vector<16xi32>
      %broadcast_in_dim3A_77 = vector.broadcast %jit3A_75 : i32 to vector<16xi32>
      %select_n3A_78 = arith.select %eq3A_67, %broadcast_in_dim3A_76, %broadcast_in_dim3A_77 : vector<16xi1>, vector<16xi32>
      %add3A_79 = arith.addi %add3A_59, %select_n3A_78 : vector<16xi32>
      %mul3A_80 = arith.constant 16 : i32
      %mul3A_81 = vector.broadcast %mul3A_80 : i32 to vector<16xi32>
      %mul3A_82 = arith.muli %add3A_18, %mul3A_81 : vector<16xi32>
      %add3A_83 = arith.constant 3 : i32
      %add3A_84 = vector.broadcast %add3A_83 : i32 to vector<16xi32>
      %add3A_85 = arith.addi %mul3A_82, %add3A_84 : vector<16xi32>
      %gather3A_86 = tpu.vector_load_idx %arg6[%add3A_85] : memref<5120xi32, #tpu.memory_space<vmem>>[vector<16xi32>], vector<16xi32>,
      %eq3A_87 = arith.cmpi eq, %gather3A_86, %add3A_20 : vector<16xi32>
      %jit3A_88 = arith.constant 3 : i32
      %jit3A_89 = arith.constant 0 : i32
      %broadcast_in_dim3A_90 = vector.broadcast %jit3A_88 : i32 to vector<16xi32>
      %broadcast_in_dim3A_91 = vector.broadcast %jit3A_89 : i32 to vector<16xi32>
      %select_n3A_92 = arith.select %eq3A_87, %broadcast_in_dim3A_90, %broadcast_in_dim3A_91 : vector<16xi1>, vector<16xi32>
      %add3A_93 = arith.addi %add3A_73, %select_n3A_92 : vector<16xi32>
      %jit3A_94 = arith.constant 1 : i32
      %jit3A_95 = arith.constant 0 : i32
      %broadcast_in_dim3A_96 = vector.broadcast %jit3A_94 : i32 to vector<16xi32>
      %broadcast_in_dim3A_97 = vector.broadcast %jit3A_95 : i32 to vector<16xi32>
      %select_n3A_98 = arith.select %eq3A_87, %broadcast_in_dim3A_96, %broadcast_in_dim3A_97 : vector<16xi1>, vector<16xi32>
      %add3A_99 = arith.addi %add3A_79, %select_n3A_98 : vector<16xi32>
      %mul3A_100 = arith.constant 16 : i32
      %mul3A_101 = vector.broadcast %mul3A_100 : i32 to vector<16xi32>
      %mul3A_102 = arith.muli %add3A_18, %mul3A_101 : vector<16xi32>
      %add3A_103 = arith.constant 4 : i32
      %add3A_104 = vector.broadcast %add3A_103 : i32 to vector<16xi32>
      %add3A_105 = arith.addi %mul3A_102, %add3A_104 : vector<16xi32>
      %gather3A_106 = tpu.vector_load_idx %arg6[%add3A_105] : memref<5120xi32, #tpu.memory_space<vmem>>[vector<16xi32>], vector<16xi32>,
      %eq3A_107 = arith.cmpi eq, %gather3A_106, %add3A_20 : vector<16xi32>
      %jit3A_108 = arith.constant 4 : i32
      %jit3A_109 = arith.constant 0 : i32
      %broadcast_in_dim3A_110 = vector.broadcast %jit3A_108 : i32 to vector<16xi32>
      %broadcast_in_dim3A_111 = vector.broadcast %jit3A_109 : i32 to vector<16xi32>
      %select_n3A_112 = arith.select %eq3A_107, %broadcast_in_dim3A_110, %broadcast_in_dim3A_111 : vector<16xi1>, vector<16xi32>
      %add3A_113 = arith.addi %add3A_93, %select_n3A_112 : vector<16xi32>
      %jit3A_114 = arith.constant 1 : i32
      %jit3A_115 = arith.constant 0 : i32
      %broadcast_in_dim3A_116 = vector.broadcast %jit3A_114 : i32 to vector<16xi32>
      %broadcast_in_dim3A_117 = vector.broadcast %jit3A_115 : i32 to vector<16xi32>
      %select_n3A_118 = arith.select %eq3A_107, %broadcast_in_dim3A_116, %broadcast_in_dim3A_117 : vector<16xi1>, vector<16xi32>
      %add3A_119 = arith.addi %add3A_99, %select_n3A_118 : vector<16xi32>
      %mul3A_120 = arith.constant 16 : i32
      %mul3A_121 = vector.broadcast %mul3A_120 : i32 to vector<16xi32>
      %mul3A_122 = arith.muli %add3A_18, %mul3A_121 : vector<16xi32>
      %add3A_123 = arith.constant 5 : i32
      %add3A_124 = vector.broadcast %add3A_123 : i32 to vector<16xi32>
      %add3A_125 = arith.addi %mul3A_122, %add3A_124 : vector<16xi32>
      %gather3A_126 = tpu.vector_load_idx %arg6[%add3A_125] : memref<5120xi32, #tpu.memory_space<vmem>>[vector<16xi32>], vector<16xi32>,
      %eq3A_127 = arith.cmpi eq, %gather3A_126, %add3A_20 : vector<16xi32>
      %jit3A_128 = arith.constant 5 : i32
      %jit3A_129 = arith.constant 0 : i32
      %broadcast_in_dim3A_130 = vector.broadcast %jit3A_128 : i32 to vector<16xi32>
      %broadcast_in_dim3A_131 = vector.broadcast %jit3A_129 : i32 to vector<16xi32>
      %select_n3A_132 = arith.select %eq3A_127, %broadcast_in_dim3A_130, %broadcast_in_dim3A_131 : vector<16xi1>, vector<16xi32>
      %add3A_133 = arith.addi %add3A_113, %select_n3A_132 : vector<16xi32>
      %jit3A_134 = arith.constant 1 : i32
      %jit3A_135 = arith.constant 0 : i32
      %broadcast_in_dim3A_136 = vector.broadcast %jit3A_134 : i32 to vector<16xi32>
      %broadcast_in_dim3A_137 = vector.broadcast %jit3A_135 : i32 to vector<16xi32>
      %select_n3A_138 = arith.select %eq3A_127, %broadcast_in_dim3A_136, %broadcast_in_dim3A_137 : vector<16xi1>, vector<16xi32>
      %add3A_139 = arith.addi %add3A_119, %select_n3A_138 : vector<16xi32>
      %mul3A_140 = arith.constant 16 : i32
      %mul3A_141 = vector.broadcast %mul3A_140 : i32 to vector<16xi32>
      %mul3A_142 = arith.muli %add3A_18, %mul3A_141 : vector<16xi32>
      %add3A_143 = arith.constant 6 : i32
      %add3A_144 = vector.broadcast %add3A_143 : i32 to vector<16xi32>
      %add3A_145 = arith.addi %mul3A_142, %add3A_144 : vector<16xi32>
      %gather3A_146 = tpu.vector_load_idx %arg6[%add3A_145] : memref<5120xi32, #tpu.memory_space<vmem>>[vector<16xi32>], vector<16xi32>,
      %eq3A_147 = arith.cmpi eq, %gather3A_146, %add3A_20 : vector<16xi32>
      %jit3A_148 = arith.constant 6 : i32
      %jit3A_149 = arith.constant 0 : i32
      %broadcast_in_dim3A_150 = vector.broadcast %jit3A_148 : i32 to vector<16xi32>
      %broadcast_in_dim3A_151 = vector.broadcast %jit3A_149 : i32 to vector<16xi32>
      %select_n3A_152 = arith.select %eq3A_147, %broadcast_in_dim3A_150, %broadcast_in_dim3A_151 : vector<16xi1>, vector<16xi32>
      %add3A_153 = arith.addi %add3A_133, %select_n3A_152 : vector<16xi32>
      %jit3A_154 = arith.constant 1 : i32
      %jit3A_155 = arith.constant 0 : i32
      %broadcast_in_dim3A_156 = vector.broadcast %jit3A_154 : i32 to vector<16xi32>
      %broadcast_in_dim3A_157 = vector.broadcast %jit3A_155 : i32 to vector<16xi32>
      %select_n3A_158 = arith.select %eq3A_147, %broadcast_in_dim3A_156, %broadcast_in_dim3A_157 : vector<16xi1>, vector<16xi32>
      %add3A_159 = arith.addi %add3A_139, %select_n3A_158 : vector<16xi32>
      %mul3A_160 = arith.constant 16 : i32
      %mul3A_161 = vector.broadcast %mul3A_160 : i32 to vector<16xi32>
      %mul3A_162 = arith.muli %add3A_18, %mul3A_161 : vector<16xi32>
      %add3A_163 = arith.constant 7 : i32
      %add3A_164 = vector.broadcast %add3A_163 : i32 to vector<16xi32>
      %add3A_165 = arith.addi %mul3A_162, %add3A_164 : vector<16xi32>
      %gather3A_166 = tpu.vector_load_idx %arg6[%add3A_165] : memref<5120xi32, #tpu.memory_space<vmem>>[vector<16xi32>], vector<16xi32>,
      %eq3A_167 = arith.cmpi eq, %gather3A_166, %add3A_20 : vector<16xi32>
      %jit3A_168 = arith.constant 7 : i32
      %jit3A_169 = arith.constant 0 : i32
      %broadcast_in_dim3A_170 = vector.broadcast %jit3A_168 : i32 to vector<16xi32>
      %broadcast_in_dim3A_171 = vector.broadcast %jit3A_169 : i32 to vector<16xi32>
      %select_n3A_172 = arith.select %eq3A_167, %broadcast_in_dim3A_170, %broadcast_in_dim3A_171 : vector<16xi1>, vector<16xi32>
      %add3A_173 = arith.addi %add3A_153, %select_n3A_172 : vector<16xi32>
      %jit3A_174 = arith.constant 1 : i32
      %jit3A_175 = arith.constant 0 : i32
      %broadcast_in_dim3A_176 = vector.broadcast %jit3A_174 : i32 to vector<16xi32>
      %broadcast_in_dim3A_177 = vector.broadcast %jit3A_175 : i32 to vector<16xi32>
      %select_n3A_178 = arith.select %eq3A_167, %broadcast_in_dim3A_176, %broadcast_in_dim3A_177 : vector<16xi1>, vector<16xi32>
      %add3A_179 = arith.addi %add3A_159, %select_n3A_178 : vector<16xi32>
      %mul3A_180 = arith.constant 16 : i32
      %mul3A_181 = vector.broadcast %mul3A_180 : i32 to vector<16xi32>
      %mul3A_182 = arith.muli %add3A_18, %mul3A_181 : vector<16xi32>
      %add3A_183 = arith.constant 8 : i32
      %add3A_184 = vector.broadcast %add3A_183 : i32 to vector<16xi32>
      %add3A_185 = arith.addi %mul3A_182, %add3A_184 : vector<16xi32>
      %gather3A_186 = tpu.vector_load_idx %arg6[%add3A_185] : memref<5120xi32, #tpu.memory_space<vmem>>[vector<16xi32>], vector<16xi32>,
      %eq3A_187 = arith.cmpi eq, %gather3A_186, %add3A_20 : vector<16xi32>
      %jit3A_188 = arith.constant 8 : i32
      %jit3A_189 = arith.constant 0 : i32
      %broadcast_in_dim3A_190 = vector.broadcast %jit3A_188 : i32 to vector<16xi32>
      %broadcast_in_dim3A_191 = vector.broadcast %jit3A_189 : i32 to vector<16xi32>
      %select_n3A_192 = arith.select %eq3A_187, %broadcast_in_dim3A_190, %broadcast_in_dim3A_191 : vector<16xi1>, vector<16xi32>
      %add3A_193 = arith.addi %add3A_173, %select_n3A_192 : vector<16xi32>
      %jit3A_194 = arith.constant 1 : i32
      %jit3A_195 = arith.constant 0 : i32
      %broadcast_in_dim3A_196 = vector.broadcast %jit3A_194 : i32 to vector<16xi32>
      %broadcast_in_dim3A_197 = vector.broadcast %jit3A_195 : i32 to vector<16xi32>
      %select_n3A_198 = arith.select %eq3A_187, %broadcast_in_dim3A_196, %broadcast_in_dim3A_197 : vector<16xi1>, vector<16xi32>
      %add3A_199 = arith.addi %add3A_179, %select_n3A_198 : vector<16xi32>
      %mul3A_200 = arith.constant 16 : i32
      %mul3A_201 = vector.broadcast %mul3A_200 : i32 to vector<16xi32>
      %mul3A_202 = arith.muli %add3A_18, %mul3A_201 : vector<16xi32>
      %add3A_203 = arith.constant 9 : i32
      %add3A_204 = vector.broadcast %add3A_203 : i32 to vector<16xi32>
      %add3A_205 = arith.addi %mul3A_202, %add3A_204 : vector<16xi32>
      %gather3A_206 = tpu.vector_load_idx %arg6[%add3A_205] : memref<5120xi32, #tpu.memory_space<vmem>>[vector<16xi32>], vector<16xi32>,
      %eq3A_207 = arith.cmpi eq, %gather3A_206, %add3A_20 : vector<16xi32>
      %jit3A_208 = arith.constant 9 : i32
      %jit3A_209 = arith.constant 0 : i32
      %broadcast_in_dim3A_210 = vector.broadcast %jit3A_208 : i32 to vector<16xi32>
      %broadcast_in_dim3A_211 = vector.broadcast %jit3A_209 : i32 to vector<16xi32>
      %select_n3A_212 = arith.select %eq3A_207, %broadcast_in_dim3A_210, %broadcast_in_dim3A_211 : vector<16xi1>, vector<16xi32>
      %add3A_213 = arith.addi %add3A_193, %select_n3A_212 : vector<16xi32>
      %jit3A_214 = arith.constant 1 : i32
      %jit3A_215 = arith.constant 0 : i32
      %broadcast_in_dim3A_216 = vector.broadcast %jit3A_214 : i32 to vector<16xi32>
      %broadcast_in_dim3A_217 = vector.broadcast %jit3A_215 : i32 to vector<16xi32>
      %select_n3A_218 = arith.select %eq3A_207, %broadcast_in_dim3A_216, %broadcast_in_dim3A_217 : vector<16xi1>, vector<16xi32>
      %add3A_219 = arith.addi %add3A_199, %select_n3A_218 : vector<16xi32>
      %mul3A_220 = arith.constant 16 : i32
      %mul3A_221 = vector.broadcast %mul3A_220 : i32 to vector<16xi32>
      %mul3A_222 = arith.muli %add3A_18, %mul3A_221 : vector<16xi32>
      %add3A_223 = arith.constant 10 : i32
      %add3A_224 = vector.broadcast %add3A_223 : i32 to vector<16xi32>
      %add3A_225 = arith.addi %mul3A_222, %add3A_224 : vector<16xi32>
      %gather3A_226 = tpu.vector_load_idx %arg6[%add3A_225] : memref<5120xi32, #tpu.memory_space<vmem>>[vector<16xi32>], vector<16xi32>,
      %eq3A_227 = arith.cmpi eq, %gather3A_226, %add3A_20 : vector<16xi32>
      %jit3A_228 = arith.constant 10 : i32
      %jit3A_229 = arith.constant 0 : i32
      %broadcast_in_dim3A_230 = vector.broadcast %jit3A_228 : i32 to vector<16xi32>
      %broadcast_in_dim3A_231 = vector.broadcast %jit3A_229 : i32 to vector<16xi32>
      %select_n3A_232 = arith.select %eq3A_227, %broadcast_in_dim3A_230, %broadcast_in_dim3A_231 : vector<16xi1>, vector<16xi32>
      %add3A_233 = arith.addi %add3A_213, %select_n3A_232 : vector<16xi32>
      %jit3A_234 = arith.constant 1 : i32
      %jit3A_235 = arith.constant 0 : i32
      %broadcast_in_dim3A_236 = vector.broadcast %jit3A_234 : i32 to vector<16xi32>
      %broadcast_in_dim3A_237 = vector.broadcast %jit3A_235 : i32 to vector<16xi32>
      %select_n3A_238 = arith.select %eq3A_227, %broadcast_in_dim3A_236, %broadcast_in_dim3A_237 : vector<16xi1>, vector<16xi32>
      %add3A_239 = arith.addi %add3A_219, %select_n3A_238 : vector<16xi32>
      %mul3A_240 = arith.constant 16 : i32
      %mul3A_241 = vector.broadcast %mul3A_240 : i32 to vector<16xi32>
      %mul3A_242 = arith.muli %add3A_18, %mul3A_241 : vector<16xi32>
      %add3A_243 = arith.constant 11 : i32
      %add3A_244 = vector.broadcast %add3A_243 : i32 to vector<16xi32>
      %add3A_245 = arith.addi %mul3A_242, %add3A_244 : vector<16xi32>
      %gather3A_246 = tpu.vector_load_idx %arg6[%add3A_245] : memref<5120xi32, #tpu.memory_space<vmem>>[vector<16xi32>], vector<16xi32>,
      %eq3A_247 = arith.cmpi eq, %gather3A_246, %add3A_20 : vector<16xi32>
      %jit3A_248 = arith.constant 11 : i32
      %jit3A_249 = arith.constant 0 : i32
      %broadcast_in_dim3A_250 = vector.broadcast %jit3A_248 : i32 to vector<16xi32>
      %broadcast_in_dim3A_251 = vector.broadcast %jit3A_249 : i32 to vector<16xi32>
      %select_n3A_252 = arith.select %eq3A_247, %broadcast_in_dim3A_250, %broadcast_in_dim3A_251 : vector<16xi1>, vector<16xi32>
      %add3A_253 = arith.addi %add3A_233, %select_n3A_252 : vector<16xi32>
      %jit3A_254 = arith.constant 1 : i32
      %jit3A_255 = arith.constant 0 : i32
      %broadcast_in_dim3A_256 = vector.broadcast %jit3A_254 : i32 to vector<16xi32>
      %broadcast_in_dim3A_257 = vector.broadcast %jit3A_255 : i32 to vector<16xi32>
      %select_n3A_258 = arith.select %eq3A_247, %broadcast_in_dim3A_256, %broadcast_in_dim3A_257 : vector<16xi1>, vector<16xi32>
      %add3A_259 = arith.addi %add3A_239, %select_n3A_258 : vector<16xi32>
      %mul3A_260 = arith.constant 16 : i32
      %mul3A_261 = vector.broadcast %mul3A_260 : i32 to vector<16xi32>
      %mul3A_262 = arith.muli %add3A_18, %mul3A_261 : vector<16xi32>
      %add3A_263 = arith.constant 12 : i32
      %add3A_264 = vector.broadcast %add3A_263 : i32 to vector<16xi32>
      %add3A_265 = arith.addi %mul3A_262, %add3A_264 : vector<16xi32>
      %gather3A_266 = tpu.vector_load_idx %arg6[%add3A_265] : memref<5120xi32, #tpu.memory_space<vmem>>[vector<16xi32>], vector<16xi32>,
      %eq3A_267 = arith.cmpi eq, %gather3A_266, %add3A_20 : vector<16xi32>
      %jit3A_268 = arith.constant 12 : i32
      %jit3A_269 = arith.constant 0 : i32
      %broadcast_in_dim3A_270 = vector.broadcast %jit3A_268 : i32 to vector<16xi32>
      %broadcast_in_dim3A_271 = vector.broadcast %jit3A_269 : i32 to vector<16xi32>
      %select_n3A_272 = arith.select %eq3A_267, %broadcast_in_dim3A_270, %broadcast_in_dim3A_271 : vector<16xi1>, vector<16xi32>
      %add3A_273 = arith.addi %add3A_253, %select_n3A_272 : vector<16xi32>
      %jit3A_274 = arith.constant 1 : i32
      %jit3A_275 = arith.constant 0 : i32
      %broadcast_in_dim3A_276 = vector.broadcast %jit3A_274 : i32 to vector<16xi32>
      %broadcast_in_dim3A_277 = vector.broadcast %jit3A_275 : i32 to vector<16xi32>
      %select_n3A_278 = arith.select %eq3A_267, %broadcast_in_dim3A_276, %broadcast_in_dim3A_277 : vector<16xi1>, vector<16xi32>
      %add3A_279 = arith.addi %add3A_259, %select_n3A_278 : vector<16xi32>
      %mul3A_280 = arith.constant 16 : i32
      %mul3A_281 = vector.broadcast %mul3A_280 : i32 to vector<16xi32>
      %mul3A_282 = arith.muli %add3A_18, %mul3A_281 : vector<16xi32>
      %add3A_283 = arith.constant 13 : i32
      %add3A_284 = vector.broadcast %add3A_283 : i32 to vector<16xi32>
      %add3A_285 = arith.addi %mul3A_282, %add3A_284 : vector<16xi32>
      %gather3A_286 = tpu.vector_load_idx %arg6[%add3A_285] : memref<5120xi32, #tpu.memory_space<vmem>>[vector<16xi32>], vector<16xi32>,
      %eq3A_287 = arith.cmpi eq, %gather3A_286, %add3A_20 : vector<16xi32>
      %jit3A_288 = arith.constant 13 : i32
      %jit3A_289 = arith.constant 0 : i32
      %broadcast_in_dim3A_290 = vector.broadcast %jit3A_288 : i32 to vector<16xi32>
      %broadcast_in_dim3A_291 = vector.broadcast %jit3A_289 : i32 to vector<16xi32>
      %select_n3A_292 = arith.select %eq3A_287, %broadcast_in_dim3A_290, %broadcast_in_dim3A_291 : vector<16xi1>, vector<16xi32>
      %add3A_293 = arith.addi %add3A_273, %select_n3A_292 : vector<16xi32>
      %jit3A_294 = arith.constant 1 : i32
      %jit3A_295 = arith.constant 0 : i32
      %broadcast_in_dim3A_296 = vector.broadcast %jit3A_294 : i32 to vector<16xi32>
      %broadcast_in_dim3A_297 = vector.broadcast %jit3A_295 : i32 to vector<16xi32>
      %select_n3A_298 = arith.select %eq3A_287, %broadcast_in_dim3A_296, %broadcast_in_dim3A_297 : vector<16xi1>, vector<16xi32>
      %add3A_299 = arith.addi %add3A_279, %select_n3A_298 : vector<16xi32>
      %mul3A_300 = arith.constant 16 : i32
      %mul3A_301 = vector.broadcast %mul3A_300 : i32 to vector<16xi32>
      %mul3A_302 = arith.muli %add3A_18, %mul3A_301 : vector<16xi32>
      %add3A_303 = arith.constant 14 : i32
      %add3A_304 = vector.broadcast %add3A_303 : i32 to vector<16xi32>
      %add3A_305 = arith.addi %mul3A_302, %add3A_304 : vector<16xi32>
      %gather3A_306 = tpu.vector_load_idx %arg6[%add3A_305] : memref<5120xi32, #tpu.memory_space<vmem>>[vector<16xi32>], vector<16xi32>,
      %eq3A_307 = arith.cmpi eq, %gather3A_306, %add3A_20 : vector<16xi32>
      %jit3A_308 = arith.constant 14 : i32
      %jit3A_309 = arith.constant 0 : i32
      %broadcast_in_dim3A_310 = vector.broadcast %jit3A_308 : i32 to vector<16xi32>
      %broadcast_in_dim3A_311 = vector.broadcast %jit3A_309 : i32 to vector<16xi32>
      %select_n3A_312 = arith.select %eq3A_307, %broadcast_in_dim3A_310, %broadcast_in_dim3A_311 : vector<16xi1>, vector<16xi32>
      %add3A_313 = arith.addi %add3A_293, %select_n3A_312 : vector<16xi32>
      %jit3A_314 = arith.constant 1 : i32
      %jit3A_315 = arith.constant 0 : i32
      %broadcast_in_dim3A_316 = vector.broadcast %jit3A_314 : i32 to vector<16xi32>
      %broadcast_in_dim3A_317 = vector.broadcast %jit3A_315 : i32 to vector<16xi32>
      %select_n3A_318 = arith.select %eq3A_307, %broadcast_in_dim3A_316, %broadcast_in_dim3A_317 : vector<16xi1>, vector<16xi32>
      %add3A_319 = arith.addi %add3A_299, %select_n3A_318 : vector<16xi32>
      %mul3A_320 = arith.constant 16 : i32
      %mul3A_321 = vector.broadcast %mul3A_320 : i32 to vector<16xi32>
      %mul3A_322 = arith.muli %add3A_18, %mul3A_321 : vector<16xi32>
      %add3A_323 = arith.constant 15 : i32
      %add3A_324 = vector.broadcast %add3A_323 : i32 to vector<16xi32>
      %add3A_325 = arith.addi %mul3A_322, %add3A_324 : vector<16xi32>
      %gather3A_326 = tpu.vector_load_idx %arg6[%add3A_325] : memref<5120xi32, #tpu.memory_space<vmem>>[vector<16xi32>], vector<16xi32>,
      %eq3A_327 = arith.cmpi eq, %gather3A_326, %add3A_20 : vector<16xi32>
      %jit3A_328 = arith.constant 15 : i32
      %jit3A_329 = arith.constant 0 : i32
      %broadcast_in_dim3A_330 = vector.broadcast %jit3A_328 : i32 to vector<16xi32>
      %broadcast_in_dim3A_331 = vector.broadcast %jit3A_329 : i32 to vector<16xi32>
      %select_n3A_332 = arith.select %eq3A_327, %broadcast_in_dim3A_330, %broadcast_in_dim3A_331 : vector<16xi1>, vector<16xi32>
      %add3A_333 = arith.addi %add3A_313, %select_n3A_332 : vector<16xi32>
      %jit3A_334 = arith.constant 1 : i32
      %jit3A_335 = arith.constant 0 : i32
      %broadcast_in_dim3A_336 = vector.broadcast %jit3A_334 : i32 to vector<16xi32>
      %broadcast_in_dim3A_337 = vector.broadcast %jit3A_335 : i32 to vector<16xi32>
      %select_n3A_338 = arith.select %eq3A_327, %broadcast_in_dim3A_336, %broadcast_in_dim3A_337 : vector<16xi1>, vector<16xi32>
      %add3A_339 = arith.addi %add3A_319, %select_n3A_338 : vector<16xi32>
      %eq3A_340 = arith.constant 0 : i32
      %eq3A_341 = vector.broadcast %eq3A_340 : i32 to vector<16xi32>
      %eq3A_342 = arith.cmpi eq, %add3A_339, %eq3A_341 : vector<16xi32>
      %jit3A_343 = arith.constant 16 : i32
      %broadcast_in_dim3A_344 = vector.broadcast %jit3A_343 : i32 to vector<16xi32>
      %select_n3A_345 = arith.select %eq3A_342, %broadcast_in_dim3A_344, %add3A_333 : vector<16xi1>, vector<16xi32>
      %sub3A = arith.constant 16 : i32
      %sub3A_346 = vector.broadcast %sub3A : i32 to vector<16xi32>
      %sub3A_347 = arith.subi %sub3A_346, %add3A_339 : vector<16xi32>
      %mul3A_348 = arith.constant 16 : i32
      %mul3A_349 = arith.muli %scan3A_14, %mul3A_348 : i32
      %swap3A = arith.index_cast %mul3A_349 : i32 to index
      %swap3A_350 = tpu.vector_load %arg9[%swap3A] {strides = array<i32>} : memref<320xi32, #tpu.memory_space<vmem>>, vector<16xi32>,
      tpu.vector_store %arg9[%swap3A], %sub3A_347 {strides = array<i32>} : memref<320xi32, #tpu.memory_space<vmem>>, vector<16xi32>,
      %le3A = arith.constant 0 : i32
      %le3A_351 = vector.broadcast %le3A : i32 to vector<16xi32>
      %le3A_352 = arith.cmpi sle, %select_n3A_345, %le3A_351 : vector<16xi32>
      %jit3A_353 = arith.constant 1 : i32
      %jit3A_354 = arith.constant 0 : i32
      %broadcast_in_dim3A_355 = vector.broadcast %jit3A_353 : i32 to vector<16xi32>
      %broadcast_in_dim3A_356 = vector.broadcast %jit3A_354 : i32 to vector<16xi32>
      %select_n3A_357 = arith.select %le3A_352, %broadcast_in_dim3A_355, %broadcast_in_dim3A_356 : vector<16xi1>, vector<16xi32>
      %add3A_358 = arith.constant 0 : i32
      %add3A_359 = vector.broadcast %add3A_358 : i32 to vector<16xi32>
      %add3A_360 = arith.addi %add3A_359, %select_n3A_357 : vector<16xi32>
      %mul3A_361 = arith.constant 16 : i32
      %mul3A_362 = vector.broadcast %mul3A_361 : i32 to vector<16xi32>
      %mul3A_363 = arith.muli %add3A_18, %mul3A_362 : vector<16xi32>
      %add3A_364 = arith.addi %mul3A_363, %add3A_360 : vector<16xi32>
      %gather3A_365 = tpu.vector_load_idx %arg6[%add3A_364] : memref<5120xi32, #tpu.memory_space<vmem>>[vector<16xi32>], vector<16xi32>,
      %mul3A_366 = arith.constant 15 : i32
      %mul3A_367 = vector.broadcast %mul3A_366 : i32 to vector<16xi32>
      %mul3A_368 = arith.muli %add3A_18, %mul3A_367 : vector<16xi32>
      %add3A_369 = arith.constant 0 : i32
      %add3A_370 = vector.broadcast %add3A_369 : i32 to vector<16xi32>
      %add3A_371 = arith.addi %mul3A_368, %add3A_370 : vector<16xi32>
      tpu.vector_store_idx %arg7[%add3A_371], %gather3A_365 : memref<4800xi32, #tpu.memory_space<vmem>>[vector<16xi32>], vector<16xi32>,
      tpu.vector_store_idx %arg8[%add3A_371], %add3A_20 : memref<4800xi32, #tpu.memory_space<vmem>>[vector<16xi32>], vector<16xi32>,
      %le3A_372 = arith.constant 1 : i32
      %le3A_373 = vector.broadcast %le3A_372 : i32 to vector<16xi32>
      %le3A_374 = arith.cmpi sle, %select_n3A_345, %le3A_373 : vector<16xi32>
      %jit3A_375 = arith.constant 1 : i32
      %jit3A_376 = arith.constant 0 : i32
      %broadcast_in_dim3A_377 = vector.broadcast %jit3A_375 : i32 to vector<16xi32>
      %broadcast_in_dim3A_378 = vector.broadcast %jit3A_376 : i32 to vector<16xi32>
      %select_n3A_379 = arith.select %le3A_374, %broadcast_in_dim3A_377, %broadcast_in_dim3A_378 : vector<16xi1>, vector<16xi32>
      %add3A_380 = arith.constant 1 : i32
      %add3A_381 = vector.broadcast %add3A_380 : i32 to vector<16xi32>
      %add3A_382 = arith.addi %add3A_381, %select_n3A_379 : vector<16xi32>
      %mul3A_383 = arith.constant 16 : i32
      %mul3A_384 = vector.broadcast %mul3A_383 : i32 to vector<16xi32>
      %mul3A_385 = arith.muli %add3A_18, %mul3A_384 : vector<16xi32>
      %add3A_386 = arith.addi %mul3A_385, %add3A_382 : vector<16xi32>
      %gather3A_387 = tpu.vector_load_idx %arg6[%add3A_386] : memref<5120xi32, #tpu.memory_space<vmem>>[vector<16xi32>], vector<16xi32>,
      %mul3A_388 = arith.constant 15 : i32
      %mul3A_389 = vector.broadcast %mul3A_388 : i32 to vector<16xi32>
      %mul3A_390 = arith.muli %add3A_18, %mul3A_389 : vector<16xi32>
      %add3A_391 = arith.constant 1 : i32
      %add3A_392 = vector.broadcast %add3A_391 : i32 to vector<16xi32>
      %add3A_393 = arith.addi %mul3A_390, %add3A_392 : vector<16xi32>
      tpu.vector_store_idx %arg7[%add3A_393], %gather3A_387 : memref<4800xi32, #tpu.memory_space<vmem>>[vector<16xi32>], vector<16xi32>,
      tpu.vector_store_idx %arg8[%add3A_393], %add3A_20 : memref<4800xi32, #tpu.memory_space<vmem>>[vector<16xi32>], vector<16xi32>,
      %le3A_394 = arith.constant 2 : i32
      %le3A_395 = vector.broadcast %le3A_394 : i32 to vector<16xi32>
      %le3A_396 = arith.cmpi sle, %select_n3A_345, %le3A_395 : vector<16xi32>
      %jit3A_397 = arith.constant 1 : i32
      %jit3A_398 = arith.constant 0 : i32
      %broadcast_in_dim3A_399 = vector.broadcast %jit3A_397 : i32 to vector<16xi32>
      %broadcast_in_dim3A_400 = vector.broadcast %jit3A_398 : i32 to vector<16xi32>
      %select_n3A_401 = arith.select %le3A_396, %broadcast_in_dim3A_399, %broadcast_in_dim3A_400 : vector<16xi1>, vector<16xi32>
      %add3A_402 = arith.constant 2 : i32
      %add3A_403 = vector.broadcast %add3A_402 : i32 to vector<16xi32>
      %add3A_404 = arith.addi %add3A_403, %select_n3A_401 : vector<16xi32>
      %mul3A_405 = arith.constant 16 : i32
      %mul3A_406 = vector.broadcast %mul3A_405 : i32 to vector<16xi32>
      %mul3A_407 = arith.muli %add3A_18, %mul3A_406 : vector<16xi32>
      %add3A_408 = arith.addi %mul3A_407, %add3A_404 : vector<16xi32>
      %gather3A_409 = tpu.vector_load_idx %arg6[%add3A_408] : memref<5120xi32, #tpu.memory_space<vmem>>[vector<16xi32>], vector<16xi32>,
      %mul3A_410 = arith.constant 15 : i32
      %mul3A_411 = vector.broadcast %mul3A_410 : i32 to vector<16xi32>
      %mul3A_412 = arith.muli %add3A_18, %mul3A_411 : vector<16xi32>
      %add3A_413 = arith.constant 2 : i32
      %add3A_414 = vector.broadcast %add3A_413 : i32 to vector<16xi32>
      %add3A_415 = arith.addi %mul3A_412, %add3A_414 : vector<16xi32>
      tpu.vector_store_idx %arg7[%add3A_415], %gather3A_409 : memref<4800xi32, #tpu.memory_space<vmem>>[vector<16xi32>], vector<16xi32>,
      tpu.vector_store_idx %arg8[%add3A_415], %add3A_20 : memref<4800xi32, #tpu.memory_space<vmem>>[vector<16xi32>], vector<16xi32>,
      %le3A_416 = arith.constant 3 : i32
      %le3A_417 = vector.broadcast %le3A_416 : i32 to vector<16xi32>
      %le3A_418 = arith.cmpi sle, %select_n3A_345, %le3A_417 : vector<16xi32>
      %jit3A_419 = arith.constant 1 : i32
      %jit3A_420 = arith.constant 0 : i32
      %broadcast_in_dim3A_421 = vector.broadcast %jit3A_419 : i32 to vector<16xi32>
      %broadcast_in_dim3A_422 = vector.broadcast %jit3A_420 : i32 to vector<16xi32>
      %select_n3A_423 = arith.select %le3A_418, %broadcast_in_dim3A_421, %broadcast_in_dim3A_422 : vector<16xi1>, vector<16xi32>
      %add3A_424 = arith.constant 3 : i32
      %add3A_425 = vector.broadcast %add3A_424 : i32 to vector<16xi32>
      %add3A_426 = arith.addi %add3A_425, %select_n3A_423 : vector<16xi32>
      %mul3A_427 = arith.constant 16 : i32
      %mul3A_428 = vector.broadcast %mul3A_427 : i32 to vector<16xi32>
      %mul3A_429 = arith.muli %add3A_18, %mul3A_428 : vector<16xi32>
      %add3A_430 = arith.addi %mul3A_429, %add3A_426 : vector<16xi32>
      %gather3A_431 = tpu.vector_load_idx %arg6[%add3A_430] : memref<5120xi32, #tpu.memory_space<vmem>>[vector<16xi32>], vector<16xi32>,
      %mul3A_432 = arith.constant 15 : i32
      %mul3A_433 = vector.broadcast %mul3A_432 : i32 to vector<16xi32>
      %mul3A_434 = arith.muli %add3A_18, %mul3A_433 : vector<16xi32>
      %add3A_435 = arith.constant 3 : i32
      %add3A_436 = vector.broadcast %add3A_435 : i32 to vector<16xi32>
      %add3A_437 = arith.addi %mul3A_434, %add3A_436 : vector<16xi32>
      tpu.vector_store_idx %arg7[%add3A_437], %gather3A_431 : memref<4800xi32, #tpu.memory_space<vmem>>[vector<16xi32>], vector<16xi32>,
      tpu.vector_store_idx %arg8[%add3A_437], %add3A_20 : memref<4800xi32, #tpu.memory_space<vmem>>[vector<16xi32>], vector<16xi32>,
      %le3A_438 = arith.constant 4 : i32
      %le3A_439 = vector.broadcast %le3A_438 : i32 to vector<16xi32>
      %le3A_440 = arith.cmpi sle, %select_n3A_345, %le3A_439 : vector<16xi32>
      %jit3A_441 = arith.constant 1 : i32
      %jit3A_442 = arith.constant 0 : i32
      %broadcast_in_dim3A_443 = vector.broadcast %jit3A_441 : i32 to vector<16xi32>
      %broadcast_in_dim3A_444 = vector.broadcast %jit3A_442 : i32 to vector<16xi32>
      %select_n3A_445 = arith.select %le3A_440, %broadcast_in_dim3A_443, %broadcast_in_dim3A_444 : vector<16xi1>, vector<16xi32>
      %add3A_446 = arith.constant 4 : i32
      %add3A_447 = vector.broadcast %add3A_446 : i32 to vector<16xi32>
      %add3A_448 = arith.addi %add3A_447, %select_n3A_445 : vector<16xi32>
      %mul3A_449 = arith.constant 16 : i32
      %mul3A_450 = vector.broadcast %mul3A_449 : i32 to vector<16xi32>
      %mul3A_451 = arith.muli %add3A_18, %mul3A_450 : vector<16xi32>
      %add3A_452 = arith.addi %mul3A_451, %add3A_448 : vector<16xi32>
      %gather3A_453 = tpu.vector_load_idx %arg6[%add3A_452] : memref<5120xi32, #tpu.memory_space<vmem>>[vector<16xi32>], vector<16xi32>,
      %mul3A_454 = arith.constant 15 : i32
      %mul3A_455 = vector.broadcast %mul3A_454 : i32 to vector<16xi32>
      %mul3A_456 = arith.muli %add3A_18, %mul3A_455 : vector<16xi32>
      %add3A_457 = arith.constant 4 : i32
      %add3A_458 = vector.broadcast %add3A_457 : i32 to vector<16xi32>
      %add3A_459 = arith.addi %mul3A_456, %add3A_458 : vector<16xi32>
      tpu.vector_store_idx %arg7[%add3A_459], %gather3A_453 : memref<4800xi32, #tpu.memory_space<vmem>>[vector<16xi32>], vector<16xi32>,
      tpu.vector_store_idx %arg8[%add3A_459], %add3A_20 : memref<4800xi32, #tpu.memory_space<vmem>>[vector<16xi32>], vector<16xi32>,
      %le3A_460 = arith.constant 5 : i32
      %le3A_461 = vector.broadcast %le3A_460 : i32 to vector<16xi32>
      %le3A_462 = arith.cmpi sle, %select_n3A_345, %le3A_461 : vector<16xi32>
      %jit3A_463 = arith.constant 1 : i32
      %jit3A_464 = arith.constant 0 : i32
      %broadcast_in_dim3A_465 = vector.broadcast %jit3A_463 : i32 to vector<16xi32>
      %broadcast_in_dim3A_466 = vector.broadcast %jit3A_464 : i32 to vector<16xi32>
      %select_n3A_467 = arith.select %le3A_462, %broadcast_in_dim3A_465, %broadcast_in_dim3A_466 : vector<16xi1>, vector<16xi32>
      %add3A_468 = arith.constant 5 : i32
      %add3A_469 = vector.broadcast %add3A_468 : i32 to vector<16xi32>
      %add3A_470 = arith.addi %add3A_469, %select_n3A_467 : vector<16xi32>
      %mul3A_471 = arith.constant 16 : i32
      %mul3A_472 = vector.broadcast %mul3A_471 : i32 to vector<16xi32>
      %mul3A_473 = arith.muli %add3A_18, %mul3A_472 : vector<16xi32>
      %add3A_474 = arith.addi %mul3A_473, %add3A_470 : vector<16xi32>
      %gather3A_475 = tpu.vector_load_idx %arg6[%add3A_474] : memref<5120xi32, #tpu.memory_space<vmem>>[vector<16xi32>], vector<16xi32>,
      %mul3A_476 = arith.constant 15 : i32
      %mul3A_477 = vector.broadcast %mul3A_476 : i32 to vector<16xi32>
      %mul3A_478 = arith.muli %add3A_18, %mul3A_477 : vector<16xi32>
      %add3A_479 = arith.constant 5 : i32
      %add3A_480 = vector.broadcast %add3A_479 : i32 to vector<16xi32>
      %add3A_481 = arith.addi %mul3A_478, %add3A_480 : vector<16xi32>
      tpu.vector_store_idx %arg7[%add3A_481], %gather3A_475 : memref<4800xi32, #tpu.memory_space<vmem>>[vector<16xi32>], vector<16xi32>,
      tpu.vector_store_idx %arg8[%add3A_481], %add3A_20 : memref<4800xi32, #tpu.memory_space<vmem>>[vector<16xi32>], vector<16xi32>,
      %le3A_482 = arith.constant 6 : i32
      %le3A_483 = vector.broadcast %le3A_482 : i32 to vector<16xi32>
      %le3A_484 = arith.cmpi sle, %select_n3A_345, %le3A_483 : vector<16xi32>
      %jit3A_485 = arith.constant 1 : i32
      %jit3A_486 = arith.constant 0 : i32
      %broadcast_in_dim3A_487 = vector.broadcast %jit3A_485 : i32 to vector<16xi32>
      %broadcast_in_dim3A_488 = vector.broadcast %jit3A_486 : i32 to vector<16xi32>
      %select_n3A_489 = arith.select %le3A_484, %broadcast_in_dim3A_487, %broadcast_in_dim3A_488 : vector<16xi1>, vector<16xi32>
      %add3A_490 = arith.constant 6 : i32
      %add3A_491 = vector.broadcast %add3A_490 : i32 to vector<16xi32>
      %add3A_492 = arith.addi %add3A_491, %select_n3A_489 : vector<16xi32>
      %mul3A_493 = arith.constant 16 : i32
      %mul3A_494 = vector.broadcast %mul3A_493 : i32 to vector<16xi32>
      %mul3A_495 = arith.muli %add3A_18, %mul3A_494 : vector<16xi32>
      %add3A_496 = arith.addi %mul3A_495, %add3A_492 : vector<16xi32>
      %gather3A_497 = tpu.vector_load_idx %arg6[%add3A_496] : memref<5120xi32, #tpu.memory_space<vmem>>[vector<16xi32>], vector<16xi32>,
      %mul3A_498 = arith.constant 15 : i32
      %mul3A_499 = vector.broadcast %mul3A_498 : i32 to vector<16xi32>
      %mul3A_500 = arith.muli %add3A_18, %mul3A_499 : vector<16xi32>
      %add3A_501 = arith.constant 6 : i32
      %add3A_502 = vector.broadcast %add3A_501 : i32 to vector<16xi32>
      %add3A_503 = arith.addi %mul3A_500, %add3A_502 : vector<16xi32>
      tpu.vector_store_idx %arg7[%add3A_503], %gather3A_497 : memref<4800xi32, #tpu.memory_space<vmem>>[vector<16xi32>], vector<16xi32>,
      tpu.vector_store_idx %arg8[%add3A_503], %add3A_20 : memref<4800xi32, #tpu.memory_space<vmem>>[vector<16xi32>], vector<16xi32>,
      %le3A_504 = arith.constant 7 : i32
      %le3A_505 = vector.broadcast %le3A_504 : i32 to vector<16xi32>
      %le3A_506 = arith.cmpi sle, %select_n3A_345, %le3A_505 : vector<16xi32>
      %jit3A_507 = arith.constant 1 : i32
      %jit3A_508 = arith.constant 0 : i32
      %broadcast_in_dim3A_509 = vector.broadcast %jit3A_507 : i32 to vector<16xi32>
      %broadcast_in_dim3A_510 = vector.broadcast %jit3A_508 : i32 to vector<16xi32>
      %select_n3A_511 = arith.select %le3A_506, %broadcast_in_dim3A_509, %broadcast_in_dim3A_510 : vector<16xi1>, vector<16xi32>
      %add3A_512 = arith.constant 7 : i32
      %add3A_513 = vector.broadcast %add3A_512 : i32 to vector<16xi32>
      %add3A_514 = arith.addi %add3A_513, %select_n3A_511 : vector<16xi32>
      %mul3A_515 = arith.constant 16 : i32
      %mul3A_516 = vector.broadcast %mul3A_515 : i32 to vector<16xi32>
      %mul3A_517 = arith.muli %add3A_18, %mul3A_516 : vector<16xi32>
      %add3A_518 = arith.addi %mul3A_517, %add3A_514 : vector<16xi32>
      %gather3A_519 = tpu.vector_load_idx %arg6[%add3A_518] : memref<5120xi32, #tpu.memory_space<vmem>>[vector<16xi32>], vector<16xi32>,
      %mul3A_520 = arith.constant 15 : i32
      %mul3A_521 = vector.broadcast %mul3A_520 : i32 to vector<16xi32>
      %mul3A_522 = arith.muli %add3A_18, %mul3A_521 : vector<16xi32>
      %add3A_523 = arith.constant 7 : i32
      %add3A_524 = vector.broadcast %add3A_523 : i32 to vector<16xi32>
      %add3A_525 = arith.addi %mul3A_522, %add3A_524 : vector<16xi32>
      tpu.vector_store_idx %arg7[%add3A_525], %gather3A_519 : memref<4800xi32, #tpu.memory_space<vmem>>[vector<16xi32>], vector<16xi32>,
      tpu.vector_store_idx %arg8[%add3A_525], %add3A_20 : memref<4800xi32, #tpu.memory_space<vmem>>[vector<16xi32>], vector<16xi32>,
      %le3A_526 = arith.constant 8 : i32
      %le3A_527 = vector.broadcast %le3A_526 : i32 to vector<16xi32>
      %le3A_528 = arith.cmpi sle, %select_n3A_345, %le3A_527 : vector<16xi32>
      %jit3A_529 = arith.constant 1 : i32
      %jit3A_530 = arith.constant 0 : i32
      %broadcast_in_dim3A_531 = vector.broadcast %jit3A_529 : i32 to vector<16xi32>
      %broadcast_in_dim3A_532 = vector.broadcast %jit3A_530 : i32 to vector<16xi32>
      %select_n3A_533 = arith.select %le3A_528, %broadcast_in_dim3A_531, %broadcast_in_dim3A_532 : vector<16xi1>, vector<16xi32>
      %add3A_534 = arith.constant 8 : i32
      %add3A_535 = vector.broadcast %add3A_534 : i32 to vector<16xi32>
      %add3A_536 = arith.addi %add3A_535, %select_n3A_533 : vector<16xi32>
      %mul3A_537 = arith.constant 16 : i32
      %mul3A_538 = vector.broadcast %mul3A_537 : i32 to vector<16xi32>
      %mul3A_539 = arith.muli %add3A_18, %mul3A_538 : vector<16xi32>
      %add3A_540 = arith.addi %mul3A_539, %add3A_536 : vector<16xi32>
      %gather3A_541 = tpu.vector_load_idx %arg6[%add3A_540] : memref<5120xi32, #tpu.memory_space<vmem>>[vector<16xi32>], vector<16xi32>,
      %mul3A_542 = arith.constant 15 : i32
      %mul3A_543 = vector.broadcast %mul3A_542 : i32 to vector<16xi32>
      %mul3A_544 = arith.muli %add3A_18, %mul3A_543 : vector<16xi32>
      %add3A_545 = arith.constant 8 : i32
      %add3A_546 = vector.broadcast %add3A_545 : i32 to vector<16xi32>
      %add3A_547 = arith.addi %mul3A_544, %add3A_546 : vector<16xi32>
      tpu.vector_store_idx %arg7[%add3A_547], %gather3A_541 : memref<4800xi32, #tpu.memory_space<vmem>>[vector<16xi32>], vector<16xi32>,
      tpu.vector_store_idx %arg8[%add3A_547], %add3A_20 : memref<4800xi32, #tpu.memory_space<vmem>>[vector<16xi32>], vector<16xi32>,
      %le3A_548 = arith.constant 9 : i32
      %le3A_549 = vector.broadcast %le3A_548 : i32 to vector<16xi32>
      %le3A_550 = arith.cmpi sle, %select_n3A_345, %le3A_549 : vector<16xi32>
      %jit3A_551 = arith.constant 1 : i32
      %jit3A_552 = arith.constant 0 : i32
      %broadcast_in_dim3A_553 = vector.broadcast %jit3A_551 : i32 to vector<16xi32>
      %broadcast_in_dim3A_554 = vector.broadcast %jit3A_552 : i32 to vector<16xi32>
      %select_n3A_555 = arith.select %le3A_550, %broadcast_in_dim3A_553, %broadcast_in_dim3A_554 : vector<16xi1>, vector<16xi32>
      %add3A_556 = arith.constant 9 : i32
      %add3A_557 = vector.broadcast %add3A_556 : i32 to vector<16xi32>
      %add3A_558 = arith.addi %add3A_557, %select_n3A_555 : vector<16xi32>
      %mul3A_559 = arith.constant 16 : i32
      %mul3A_560 = vector.broadcast %mul3A_559 : i32 to vector<16xi32>
      %mul3A_561 = arith.muli %add3A_18, %mul3A_560 : vector<16xi32>
      %add3A_562 = arith.addi %mul3A_561, %add3A_558 : vector<16xi32>
      %gather3A_563 = tpu.vector_load_idx %arg6[%add3A_562] : memref<5120xi32, #tpu.memory_space<vmem>>[vector<16xi32>], vector<16xi32>,
      %mul3A_564 = arith.constant 15 : i32
      %mul3A_565 = vector.broadcast %mul3A_564 : i32 to vector<16xi32>
      %mul3A_566 = arith.muli %add3A_18, %mul3A_565 : vector<16xi32>
      %add3A_567 = arith.constant 9 : i32
      %add3A_568 = vector.broadcast %add3A_567 : i32 to vector<16xi32>
      %add3A_569 = arith.addi %mul3A_566, %add3A_568 : vector<16xi32>
      tpu.vector_store_idx %arg7[%add3A_569], %gather3A_563 : memref<4800xi32, #tpu.memory_space<vmem>>[vector<16xi32>], vector<16xi32>,
      tpu.vector_store_idx %arg8[%add3A_569], %add3A_20 : memref<4800xi32, #tpu.memory_space<vmem>>[vector<16xi32>], vector<16xi32>,
      %le3A_570 = arith.constant 10 : i32
      %le3A_571 = vector.broadcast %le3A_570 : i32 to vector<16xi32>
      %le3A_572 = arith.cmpi sle, %select_n3A_345, %le3A_571 : vector<16xi32>
      %jit3A_573 = arith.constant 1 : i32
      %jit3A_574 = arith.constant 0 : i32
      %broadcast_in_dim3A_575 = vector.broadcast %jit3A_573 : i32 to vector<16xi32>
      %broadcast_in_dim3A_576 = vector.broadcast %jit3A_574 : i32 to vector<16xi32>
      %select_n3A_577 = arith.select %le3A_572, %broadcast_in_dim3A_575, %broadcast_in_dim3A_576 : vector<16xi1>, vector<16xi32>
      %add3A_578 = arith.constant 10 : i32
      %add3A_579 = vector.broadcast %add3A_578 : i32 to vector<16xi32>
      %add3A_580 = arith.addi %add3A_579, %select_n3A_577 : vector<16xi32>
      %mul3A_581 = arith.constant 16 : i32
      %mul3A_582 = vector.broadcast %mul3A_581 : i32 to vector<16xi32>
      %mul3A_583 = arith.muli %add3A_18, %mul3A_582 : vector<16xi32>
      %add3A_584 = arith.addi %mul3A_583, %add3A_580 : vector<16xi32>
      %gather3A_585 = tpu.vector_load_idx %arg6[%add3A_584] : memref<5120xi32, #tpu.memory_space<vmem>>[vector<16xi32>], vector<16xi32>,
      %mul3A_586 = arith.constant 15 : i32
      %mul3A_587 = vector.broadcast %mul3A_586 : i32 to vector<16xi32>
      %mul3A_588 = arith.muli %add3A_18, %mul3A_587 : vector<16xi32>
      %add3A_589 = arith.constant 10 : i32
      %add3A_590 = vector.broadcast %add3A_589 : i32 to vector<16xi32>
      %add3A_591 = arith.addi %mul3A_588, %add3A_590 : vector<16xi32>
      tpu.vector_store_idx %arg7[%add3A_591], %gather3A_585 : memref<4800xi32, #tpu.memory_space<vmem>>[vector<16xi32>], vector<16xi32>,
      tpu.vector_store_idx %arg8[%add3A_591], %add3A_20 : memref<4800xi32, #tpu.memory_space<vmem>>[vector<16xi32>], vector<16xi32>,
      %le3A_592 = arith.constant 11 : i32
      %le3A_593 = vector.broadcast %le3A_592 : i32 to vector<16xi32>
      %le3A_594 = arith.cmpi sle, %select_n3A_345, %le3A_593 : vector<16xi32>
      %jit3A_595 = arith.constant 1 : i32
      %jit3A_596 = arith.constant 0 : i32
      %broadcast_in_dim3A_597 = vector.broadcast %jit3A_595 : i32 to vector<16xi32>
      %broadcast_in_dim3A_598 = vector.broadcast %jit3A_596 : i32 to vector<16xi32>
      %select_n3A_599 = arith.select %le3A_594, %broadcast_in_dim3A_597, %broadcast_in_dim3A_598 : vector<16xi1>, vector<16xi32>
      %add3A_600 = arith.constant 11 : i32
      %add3A_601 = vector.broadcast %add3A_600 : i32 to vector<16xi32>
      %add3A_602 = arith.addi %add3A_601, %select_n3A_599 : vector<16xi32>
      %mul3A_603 = arith.constant 16 : i32
      %mul3A_604 = vector.broadcast %mul3A_603 : i32 to vector<16xi32>
      %mul3A_605 = arith.muli %add3A_18, %mul3A_604 : vector<16xi32>
      %add3A_606 = arith.addi %mul3A_605, %add3A_602 : vector<16xi32>
      %gather3A_607 = tpu.vector_load_idx %arg6[%add3A_606] : memref<5120xi32, #tpu.memory_space<vmem>>[vector<16xi32>], vector<16xi32>,
      %mul3A_608 = arith.constant 15 : i32
      %mul3A_609 = vector.broadcast %mul3A_608 : i32 to vector<16xi32>
      %mul3A_610 = arith.muli %add3A_18, %mul3A_609 : vector<16xi32>
      %add3A_611 = arith.constant 11 : i32
      %add3A_612 = vector.broadcast %add3A_611 : i32 to vector<16xi32>
      %add3A_613 = arith.addi %mul3A_610, %add3A_612 : vector<16xi32>
      tpu.vector_store_idx %arg7[%add3A_613], %gather3A_607 : memref<4800xi32, #tpu.memory_space<vmem>>[vector<16xi32>], vector<16xi32>,
      tpu.vector_store_idx %arg8[%add3A_613], %add3A_20 : memref<4800xi32, #tpu.memory_space<vmem>>[vector<16xi32>], vector<16xi32>,
      %le3A_614 = arith.constant 12 : i32
      %le3A_615 = vector.broadcast %le3A_614 : i32 to vector<16xi32>
      %le3A_616 = arith.cmpi sle, %select_n3A_345, %le3A_615 : vector<16xi32>
      %jit3A_617 = arith.constant 1 : i32
      %jit3A_618 = arith.constant 0 : i32
      %broadcast_in_dim3A_619 = vector.broadcast %jit3A_617 : i32 to vector<16xi32>
      %broadcast_in_dim3A_620 = vector.broadcast %jit3A_618 : i32 to vector<16xi32>
      %select_n3A_621 = arith.select %le3A_616, %broadcast_in_dim3A_619, %broadcast_in_dim3A_620 : vector<16xi1>, vector<16xi32>
      %add3A_622 = arith.constant 12 : i32
      %add3A_623 = vector.broadcast %add3A_622 : i32 to vector<16xi32>
      %add3A_624 = arith.addi %add3A_623, %select_n3A_621 : vector<16xi32>
      %mul3A_625 = arith.constant 16 : i32
      %mul3A_626 = vector.broadcast %mul3A_625 : i32 to vector<16xi32>
      %mul3A_627 = arith.muli %add3A_18, %mul3A_626 : vector<16xi32>
      %add3A_628 = arith.addi %mul3A_627, %add3A_624 : vector<16xi32>
      %gather3A_629 = tpu.vector_load_idx %arg6[%add3A_628] : memref<5120xi32, #tpu.memory_space<vmem>>[vector<16xi32>], vector<16xi32>,
      %mul3A_630 = arith.constant 15 : i32
      %mul3A_631 = vector.broadcast %mul3A_630 : i32 to vector<16xi32>
      %mul3A_632 = arith.muli %add3A_18, %mul3A_631 : vector<16xi32>
      %add3A_633 = arith.constant 12 : i32
      %add3A_634 = vector.broadcast %add3A_633 : i32 to vector<16xi32>
      %add3A_635 = arith.addi %mul3A_632, %add3A_634 : vector<16xi32>
      tpu.vector_store_idx %arg7[%add3A_635], %gather3A_629 : memref<4800xi32, #tpu.memory_space<vmem>>[vector<16xi32>], vector<16xi32>,
      tpu.vector_store_idx %arg8[%add3A_635], %add3A_20 : memref<4800xi32, #tpu.memory_space<vmem>>[vector<16xi32>], vector<16xi32>,
      %le3A_636 = arith.constant 13 : i32
      %le3A_637 = vector.broadcast %le3A_636 : i32 to vector<16xi32>
      %le3A_638 = arith.cmpi sle, %select_n3A_345, %le3A_637 : vector<16xi32>
      %jit3A_639 = arith.constant 1 : i32
      %jit3A_640 = arith.constant 0 : i32
      %broadcast_in_dim3A_641 = vector.broadcast %jit3A_639 : i32 to vector<16xi32>
      %broadcast_in_dim3A_642 = vector.broadcast %jit3A_640 : i32 to vector<16xi32>
      %select_n3A_643 = arith.select %le3A_638, %broadcast_in_dim3A_641, %broadcast_in_dim3A_642 : vector<16xi1>, vector<16xi32>
      %add3A_644 = arith.constant 13 : i32
      %add3A_645 = vector.broadcast %add3A_644 : i32 to vector<16xi32>
      %add3A_646 = arith.addi %add3A_645, %select_n3A_643 : vector<16xi32>
      %mul3A_647 = arith.constant 16 : i32
      %mul3A_648 = vector.broadcast %mul3A_647 : i32 to vector<16xi32>
      %mul3A_649 = arith.muli %add3A_18, %mul3A_648 : vector<16xi32>
      %add3A_650 = arith.addi %mul3A_649, %add3A_646 : vector<16xi32>
      %gather3A_651 = tpu.vector_load_idx %arg6[%add3A_650] : memref<5120xi32, #tpu.memory_space<vmem>>[vector<16xi32>], vector<16xi32>,
      %mul3A_652 = arith.constant 15 : i32
      %mul3A_653 = vector.broadcast %mul3A_652 : i32 to vector<16xi32>
      %mul3A_654 = arith.muli %add3A_18, %mul3A_653 : vector<16xi32>
      %add3A_655 = arith.constant 13 : i32
      %add3A_656 = vector.broadcast %add3A_655 : i32 to vector<16xi32>
      %add3A_657 = arith.addi %mul3A_654, %add3A_656 : vector<16xi32>
      tpu.vector_store_idx %arg7[%add3A_657], %gather3A_651 : memref<4800xi32, #tpu.memory_space<vmem>>[vector<16xi32>], vector<16xi32>,
      tpu.vector_store_idx %arg8[%add3A_657], %add3A_20 : memref<4800xi32, #tpu.memory_space<vmem>>[vector<16xi32>], vector<16xi32>,
      %le3A_658 = arith.constant 14 : i32
      %le3A_659 = vector.broadcast %le3A_658 : i32 to vector<16xi32>
      %le3A_660 = arith.cmpi sle, %select_n3A_345, %le3A_659 : vector<16xi32>
      %jit3A_661 = arith.constant 1 : i32
      %jit3A_662 = arith.constant 0 : i32
      %broadcast_in_dim3A_663 = vector.broadcast %jit3A_661 : i32 to vector<16xi32>
      %broadcast_in_dim3A_664 = vector.broadcast %jit3A_662 : i32 to vector<16xi32>
      %select_n3A_665 = arith.select %le3A_660, %broadcast_in_dim3A_663, %broadcast_in_dim3A_664 : vector<16xi1>, vector<16xi32>
      %add3A_666 = arith.constant 14 : i32
      %add3A_667 = vector.broadcast %add3A_666 : i32 to vector<16xi32>
      %add3A_668 = arith.addi %add3A_667, %select_n3A_665 : vector<16xi32>
      %mul3A_669 = arith.constant 16 : i32
      %mul3A_670 = vector.broadcast %mul3A_669 : i32 to vector<16xi32>
      %mul3A_671 = arith.muli %add3A_18, %mul3A_670 : vector<16xi32>
      %add3A_672 = arith.addi %mul3A_671, %add3A_668 : vector<16xi32>
      %gather3A_673 = tpu.vector_load_idx %arg6[%add3A_672] : memref<5120xi32, #tpu.memory_space<vmem>>[vector<16xi32>], vector<16xi32>,
      %mul3A_674 = arith.constant 15 : i32
      %mul3A_675 = vector.broadcast %mul3A_674 : i32 to vector<16xi32>
      %mul3A_676 = arith.muli %add3A_18, %mul3A_675 : vector<16xi32>
      %add3A_677 = arith.constant 14 : i32
      %add3A_678 = vector.broadcast %add3A_677 : i32 to vector<16xi32>
      %add3A_679 = arith.addi %mul3A_676, %add3A_678 : vector<16xi32>
      tpu.vector_store_idx %arg7[%add3A_679], %gather3A_673 : memref<4800xi32, #tpu.memory_space<vmem>>[vector<16xi32>], vector<16xi32>,
      tpu.vector_store_idx %arg8[%add3A_679], %add3A_20 : memref<4800xi32, #tpu.memory_space<vmem>>[vector<16xi32>], vector<16xi32>,
    }
    %scan3A_9 = arith.constant 20 : i32
    %mul3A_10 = arith.constant 15 : i32
    %mul3A_11 = arith.muli %mul3A_2, %mul3A_10 : i32
    "tpu.region"() ({
      %run_scoped3A = tpu.sem_alloc : memref<!tpu.dma_semaphore, #tpu.memory_space<semaphore_mem>>
      %dma_start3A = tpu.memref_slice %arg3[%mul3A_11] : memref<153600xi32, #tpu.memory_space<hbm>> -> memref<4800xi32, #tpu.memory_space<hbm>>
      %dma_start3A_14 = tpu.memref_slice %arg3[%mul3A_11] : memref<153600xi32, #tpu.memory_space<hbm>> -> memref<4800xi32, #tpu.memory_space<hbm>>
      tpu.enqueue_dma source(%arg7 : memref<4800xi32, #tpu.memory_space<vmem>>) target(%dma_start3A_14 : memref<4800xi32, #tpu.memory_space<hbm>>) target_semaphore(%run_scoped3A : memref<!tpu.dma_semaphore, #tpu.memory_space<semaphore_mem>>)
      %dma_wait3A = tpu.memref_slice %arg3[%mul3A_11] : memref<153600xi32, #tpu.memory_space<hbm>> -> memref<4800xi32, #tpu.memory_space<hbm>>
      %dma_wait3A_15 = tpu.memref_slice %arg3[%mul3A_11] : memref<153600xi32, #tpu.memory_space<hbm>> -> memref<4800xi32, #tpu.memory_space<hbm>>
      tpu.wait_dma2 semaphore(%run_scoped3A : memref<!tpu.dma_semaphore, #tpu.memory_space<semaphore_mem>>) src(%arg7 : memref<4800xi32, #tpu.memory_space<vmem>>) dst(%dma_wait3A_15 : memref<4800xi32, #tpu.memory_space<hbm>>)
      tpu.yield
    }) : () -> ()
    %mul3A_12 = arith.constant 15 : i32
    %mul3A_13 = arith.muli %mul3A_2, %mul3A_12 : i32
    "tpu.region"() ({
      %run_scoped3A = tpu.sem_alloc : memref<!tpu.dma_semaphore, #tpu.memory_space<semaphore_mem>>
      %dma_start3A = tpu.memref_slice %arg4[%mul3A_13] : memref<153600xi32, #tpu.memory_space<hbm>> -> memref<4800xi32, #tpu.memory_space<hbm>>
      %dma_start3A_14 = tpu.memref_slice %arg4[%mul3A_13] : memref<153600xi32, #tpu.memory_space<hbm>> -> memref<4800xi32, #tpu.memory_space<hbm>>
      tpu.enqueue_dma source(%arg8 : memref<4800xi32, #tpu.memory_space<vmem>>) target(%dma_start3A_14 : memref<4800xi32, #tpu.memory_space<hbm>>) target_semaphore(%run_scoped3A : memref<!tpu.dma_semaphore, #tpu.memory_space<semaphore_mem>>)
      %dma_wait3A = tpu.memref_slice %arg4[%mul3A_13] : memref<153600xi32, #tpu.memory_space<hbm>> -> memref<4800xi32, #tpu.memory_space<hbm>>
      %dma_wait3A_15 = tpu.memref_slice %arg4[%mul3A_13] : memref<153600xi32, #tpu.memory_space<hbm>> -> memref<4800xi32, #tpu.memory_space<hbm>>
      tpu.wait_dma2 semaphore(%run_scoped3A : memref<!tpu.dma_semaphore, #tpu.memory_space<semaphore_mem>>) src(%arg8 : memref<4800xi32, #tpu.memory_space<vmem>>) dst(%dma_wait3A_15 : memref<4800xi32, #tpu.memory_space<hbm>>)
      tpu.yield
    }) : () -> ()
    "tpu.region"() ({
      %run_scoped3A = tpu.sem_alloc : memref<!tpu.dma_semaphore, #tpu.memory_space<semaphore_mem>>
      %dma_start3A = tpu.memref_slice %arg5[%mul3A_2] : memref<10240xi32, #tpu.memory_space<hbm>> -> memref<320xi32, #tpu.memory_space<hbm>>
      %dma_start3A_14 = tpu.memref_slice %arg5[%mul3A_2] : memref<10240xi32, #tpu.memory_space<hbm>> -> memref<320xi32, #tpu.memory_space<hbm>>
      tpu.enqueue_dma source(%arg9 : memref<320xi32, #tpu.memory_space<vmem>>) target(%dma_start3A_14 : memref<320xi32, #tpu.memory_space<hbm>>) target_semaphore(%run_scoped3A : memref<!tpu.dma_semaphore, #tpu.memory_space<semaphore_mem>>)
      %dma_wait3A = tpu.memref_slice %arg5[%mul3A_2] : memref<10240xi32, #tpu.memory_space<hbm>> -> memref<320xi32, #tpu.memory_space<hbm>>
      %dma_wait3A_15 = tpu.memref_slice %arg5[%mul3A_2] : memref<10240xi32, #tpu.memory_space<hbm>> -> memref<320xi32, #tpu.memory_space<hbm>>
      tpu.wait_dma2 semaphore(%run_scoped3A : memref<!tpu.dma_semaphore, #tpu.memory_space<semaphore_mem>>) src(%arg9 : memref<320xi32, #tpu.memory_space<vmem>>) dst(%dma_wait3A_15 : memref<320xi32, #tpu.memory_space<hbm>>)
      tpu.yield
    }) : () -> ()
    return
  }
}

module attributes {stable_mosaic.version = 14 : i64} {
  func.func @_knn_body(%arg0: i32, %arg1: memref<40xi32, #tpu.memory_space<smem>>, %arg2: memref<40xi32, #tpu.memory_space<smem>>, %arg3: memref<10240x8xf32, #tpu.memory_space<vmem>>, %arg4: memref<8x10240xf32, #tpu.memory_space<vmem>>, %arg5: memref<10240x1xi32, #tpu.memory_space<vmem>>, %arg6: memref<1x10240xi32, #tpu.memory_space<vmem>>, %arg7: memref<16x256xi32, #tpu.memory_space<vmem>>) attributes {dimension_semantics = [#tpu.dimension_semantics<arbitrary>], iteration_bounds = array<i64: 40>, scalar_prefetch = 2 : i64, scratch_operands = 0 : i64, tpu.core_type = #tpu.core_type<tc>, window_params = [{pipeline_mode = #tpu.pipeline_mode<synchronous>, transform_indices = @transform_0, window_bounds = array<i64: 10240, 8>}, {pipeline_mode = #tpu.pipeline_mode<synchronous>, transform_indices = @transform_1, window_bounds = array<i64: 8, 10240>}, {pipeline_mode = #tpu.pipeline_mode<synchronous>, transform_indices = @transform_2, window_bounds = array<i64: 10240, 1>}, {pipeline_mode = #tpu.pipeline_mode<synchronous>, transform_indices = @transform_3, window_bounds = array<i64: 1, 10240>}, {transform_indices = @transform_4, window_bounds = array<i64: 16, 256>}]} {
    %mul3A = arith.constant 256 : i32
    %mul3A_0 = arith.muli %arg0, %mul3A : i32
    %get3A = arith.constant 0 : index
    %get3A_1 = arith.index_cast %mul3A_0 : i32 to index
    %get3A_2 = vector.load %arg4[%get3A, %get3A_1] : memref<8x10240xf32, #tpu.memory_space<vmem>>, vector<8x256xf32>
    %mul3A_3 = arith.constant 256 : i32
    %mul3A_4 = arith.muli %arg0, %mul3A_3 : i32
    %get3A_5 = arith.constant 0 : index
    %get3A_6 = arith.index_cast %mul3A_4 : i32 to index
    %get3A_7 = vector.load %arg6[%get3A_5, %get3A_6] : memref<1x10240xi32, #tpu.memory_space<vmem>>, vector<1x256xi32>
    %mul3A_8 = arith.mulf %get3A_2, %get3A_2 : vector<8x256xf32>
    %reduce_sum3A = arith.constant dense<0.000000e+00> : vector<256xf32>
    %reduce_sum3A_9 = vector.multi_reduction <add>, %mul3A_8, %reduce_sum3A [0] : vector<8x256xf32> to vector<256xf32>
    %broadcast_in_dim3A = vector.shape_cast %reduce_sum3A_9 : vector<256xf32> to vector<1x256xf32>
    %iota3A = tpu.iota {dimensions = array<i32: 0>} : vector<16x256xi32>
    %iota3A_10 = tpu.iota {dimensions = array<i32: 0>} : vector<272x256xi32>
    %broadcast_in_dim3A_11 = arith.constant 0x7F800000 : f32
    %broadcast_in_dim3A_12 = vector.broadcast %broadcast_in_dim3A_11 : f32 to vector<16x256xf32>
    %broadcast_in_dim3A_13 = arith.constant 1073741824 : i32
    %broadcast_in_dim3A_14 = vector.broadcast %broadcast_in_dim3A_13 : i32 to vector<16x256xi32>
    %get3A_15 = arith.index_cast %arg0 : i32 to index
    %get3A_16 = memref.load %arg2[%get3A_15] : memref<40xi32, #tpu.memory_space<smem>>
    %while3A = arith.constant 0 : i32
    %while3A_17 = arith.subi %get3A_16, %while3A : i32
    %while3A_18 = arith.addi %while3A, %while3A_17 : i32
    %while3A_19 = arith.constant 1 : i32
    %while3A_20 = arith.divsi %while3A_17, %while3A_19 : i32
    %while3A_21 = arith.muli %while3A_20, %while3A_19 : i32
    %while3A_22 = arith.addi %while3A, %while3A_21 : i32
    %while3A_23 = arith.constant 1 : i32
    %while3A_24:2 = scf.for %while3A_29 = %while3A to %while3A_22 step %while3A_23 iter_args(%while3A_30 = %broadcast_in_dim3A_12, %while3A_31 = %broadcast_in_dim3A_14) -> (vector<16x256xf32>, vector<16x256xi32>)  : i32 {
      %get3A_32 = arith.index_cast %arg0 : i32 to index
      %get3A_33 = memref.load %arg1[%get3A_32] : memref<40xi32, #tpu.memory_space<smem>>
      %add3A = arith.addi %get3A_33, %while3A_29 : i32
      %mul3A_34 = arith.constant 256 : i32
      %mul3A_35 = arith.muli %add3A, %mul3A_34 : i32
      %get3A_36 = arith.index_cast %mul3A_35 : i32 to index
      %get3A_37 = arith.constant 0 : index
      %get3A_38 = vector.load %arg3[%get3A_36, %get3A_37] : memref<10240x8xf32, #tpu.memory_space<vmem>>, vector<256x8xf32>
      %get3A_39 = arith.index_cast %mul3A_35 : i32 to index
      %get3A_40 = arith.constant 0 : index
      %get3A_41 = vector.load %arg5[%get3A_39, %get3A_40] : memref<10240x1xi32, #tpu.memory_space<vmem>>, vector<256x1xi32>
      %dot_general3A = arith.constant dense<0.000000e+00> : vector<256x256xf32>
      %dot_general3A_42 = tpu.matmul %get3A_38, %get3A_2, %dot_general3A {dimension_numbers = #tpu.dot_dimension_numbers<[1], [0], [0], [1], [0, 0, 1, 1], [], []>, transpose_lhs_hint = false} : vector<256x8xf32>, vector<8x256xf32>, vector<256x256xf32> -> vector<256x256xf32>
      %mul3A_43 = arith.mulf %get3A_38, %get3A_38 : vector<256x8xf32>
      %reduce_sum3A_44 = arith.constant dense<0.000000e+00> : vector<256xf32>
      %reduce_sum3A_45 = vector.multi_reduction <add>, %mul3A_43, %reduce_sum3A_44 [1] : vector<256x8xf32> to vector<256xf32>
      %broadcast_in_dim3A_46 = vector.shape_cast %reduce_sum3A_45 : vector<256xf32> to vector<256x1xf32>
      %add3A_47 = vector.broadcast %broadcast_in_dim3A : vector<1x256xf32> to vector<256x256xf32>
      %add3A_48 = vector.broadcast %broadcast_in_dim3A_46 : vector<256x1xf32> to vector<256x256xf32>
      %add3A_49 = arith.addf %add3A_47, %add3A_48 : vector<256x256xf32>
      %mul3A_50 = arith.constant 2.000000e+00 : f32
      %mul3A_51 = vector.broadcast %mul3A_50 : f32 to vector<256x256xf32>
      %mul3A_52 = arith.mulf %mul3A_51, %dot_general3A_42 : vector<256x256xf32>
      %sub3A = arith.subf %add3A_49, %mul3A_52 : vector<256x256xf32>
      %eq3A = vector.broadcast %get3A_41 : vector<256x1xi32> to vector<256x256xi32>
      %eq3A_53 = vector.broadcast %get3A_7 : vector<1x256xi32> to vector<256x256xi32>
      %eq3A_54 = arith.cmpi eq, %eq3A, %eq3A_53 : vector<256x256xi32>
      %jit3A = arith.constant 0x7F800000 : f32
      %broadcast_in_dim3A_55 = vector.broadcast %jit3A : f32 to vector<256x256xf32>
      %select_n3A = arith.select %eq3A_54, %sub3A, %broadcast_in_dim3A_55 : vector<256x256xi1>, vector<256x256xf32>
      %concatenate3A = tpu.concatenate %while3A_30, %select_n3A in 0 : vector<16x256xf32>, vector<256x256xf32> -> vector<272x256xf32>
      %reduce_min3A = arith.constant dense<0x7F800000> : vector<256xf32>
      %reduce_min3A_56 = vector.multi_reduction <minimumf>, %concatenate3A, %reduce_min3A [0] : vector<272x256xf32> to vector<256xf32>
      %broadcast_in_dim3A_57 = vector.shape_cast %reduce_min3A_56 : vector<256xf32> to vector<1x256xf32>
      %argmin3A = tpu.reduce_index %concatenate3A {axis = 0 : i32, kind = #tpu.reduction_kind<arg_min>} : vector<272x256xf32> -> vector<256xi32>
      %broadcast_in_dim3A_58 = vector.shape_cast %argmin3A : vector<256xi32> to vector<1x256xi32>
      %eq3A_59 = vector.broadcast %broadcast_in_dim3A_58 : vector<1x256xi32> to vector<16x256xi32>
      %eq3A_60 = arith.cmpi eq, %iota3A, %eq3A_59 : vector<16x256xi32>
      %jit3A_61 = arith.constant 1073741824 : i32
      %broadcast_in_dim3A_62 = vector.broadcast %jit3A_61 : i32 to vector<16x256xi32>
      %select_n3A_63 = arith.select %eq3A_60, %while3A_31, %broadcast_in_dim3A_62 : vector<16x256xi1>, vector<16x256xi32>
      %reduce_min3A_64 = arith.constant dense<2147483647> : vector<256xi32>
      %reduce_min3A_65 = vector.multi_reduction <minsi>, %select_n3A_63, %reduce_min3A_64 [0] : vector<16x256xi32> to vector<256xi32>
      %broadcast_in_dim3A_66 = vector.shape_cast %reduce_min3A_65 : vector<256xi32> to vector<1x256xi32>
      %lt3A = arith.constant 16 : i32
      %lt3A_67 = vector.broadcast %lt3A : i32 to vector<1x256xi32>
      %lt3A_68 = arith.cmpi slt, %broadcast_in_dim3A_58, %lt3A_67 : vector<1x256xi32>
      %add3A_69 = vector.broadcast %mul3A_35 : i32 to vector<1x256xi32>
      %add3A_70 = arith.addi %add3A_69, %broadcast_in_dim3A_58 : vector<1x256xi32>
      %sub3A_71 = arith.constant 16 : i32
      %sub3A_72 = vector.broadcast %sub3A_71 : i32 to vector<1x256xi32>
      %sub3A_73 = arith.subi %add3A_70, %sub3A_72 : vector<1x256xi32>
      %select_n3A_74 = arith.select %lt3A_68, %broadcast_in_dim3A_66, %sub3A_73 : vector<1x256xi1>, vector<1x256xi32>
      %eq3A_75 = vector.broadcast %broadcast_in_dim3A_58 : vector<1x256xi32> to vector<272x256xi32>
      %eq3A_76 = arith.cmpi eq, %iota3A_10, %eq3A_75 : vector<272x256xi32>
      %jit3A_77 = arith.constant 0x7F800000 : f32
      %broadcast_in_dim3A_78 = vector.broadcast %jit3A_77 : f32 to vector<272x256xf32>
      %select_n3A_79 = arith.select %eq3A_76, %broadcast_in_dim3A_78, %concatenate3A : vector<272x256xi1>, vector<272x256xf32>
      %reduce_min3A_80 = arith.constant dense<0x7F800000> : vector<256xf32>
      %reduce_min3A_81 = vector.multi_reduction <minimumf>, %select_n3A_79, %reduce_min3A_80 [0] : vector<272x256xf32> to vector<256xf32>
      %broadcast_in_dim3A_82 = vector.shape_cast %reduce_min3A_81 : vector<256xf32> to vector<1x256xf32>
      %argmin3A_83 = tpu.reduce_index %select_n3A_79 {axis = 0 : i32, kind = #tpu.reduction_kind<arg_min>} : vector<272x256xf32> -> vector<256xi32>
      %broadcast_in_dim3A_84 = vector.shape_cast %argmin3A_83 : vector<256xi32> to vector<1x256xi32>
      %eq3A_85 = vector.broadcast %broadcast_in_dim3A_84 : vector<1x256xi32> to vector<16x256xi32>
      %eq3A_86 = arith.cmpi eq, %iota3A, %eq3A_85 : vector<16x256xi32>
      %jit3A_87 = arith.constant 1073741824 : i32
      %broadcast_in_dim3A_88 = vector.broadcast %jit3A_87 : i32 to vector<16x256xi32>
      %select_n3A_89 = arith.select %eq3A_86, %while3A_31, %broadcast_in_dim3A_88 : vector<16x256xi1>, vector<16x256xi32>
      %reduce_min3A_90 = arith.constant dense<2147483647> : vector<256xi32>
      %reduce_min3A_91 = vector.multi_reduction <minsi>, %select_n3A_89, %reduce_min3A_90 [0] : vector<16x256xi32> to vector<256xi32>
      %broadcast_in_dim3A_92 = vector.shape_cast %reduce_min3A_91 : vector<256xi32> to vector<1x256xi32>
      %lt3A_93 = arith.constant 16 : i32
      %lt3A_94 = vector.broadcast %lt3A_93 : i32 to vector<1x256xi32>
      %lt3A_95 = arith.cmpi slt, %broadcast_in_dim3A_84, %lt3A_94 : vector<1x256xi32>
      %add3A_96 = vector.broadcast %mul3A_35 : i32 to vector<1x256xi32>
      %add3A_97 = arith.addi %add3A_96, %broadcast_in_dim3A_84 : vector<1x256xi32>
      %sub3A_98 = arith.constant 16 : i32
      %sub3A_99 = vector.broadcast %sub3A_98 : i32 to vector<1x256xi32>
      %sub3A_100 = arith.subi %add3A_97, %sub3A_99 : vector<1x256xi32>
      %select_n3A_101 = arith.select %lt3A_95, %broadcast_in_dim3A_92, %sub3A_100 : vector<1x256xi1>, vector<1x256xi32>
      %eq3A_102 = vector.broadcast %broadcast_in_dim3A_84 : vector<1x256xi32> to vector<272x256xi32>
      %eq3A_103 = arith.cmpi eq, %iota3A_10, %eq3A_102 : vector<272x256xi32>
      %jit3A_104 = arith.constant 0x7F800000 : f32
      %broadcast_in_dim3A_105 = vector.broadcast %jit3A_104 : f32 to vector<272x256xf32>
      %select_n3A_106 = arith.select %eq3A_103, %broadcast_in_dim3A_105, %select_n3A_79 : vector<272x256xi1>, vector<272x256xf32>
      %reduce_min3A_107 = arith.constant dense<0x7F800000> : vector<256xf32>
      %reduce_min3A_108 = vector.multi_reduction <minimumf>, %select_n3A_106, %reduce_min3A_107 [0] : vector<272x256xf32> to vector<256xf32>
      %broadcast_in_dim3A_109 = vector.shape_cast %reduce_min3A_108 : vector<256xf32> to vector<1x256xf32>
      %argmin3A_110 = tpu.reduce_index %select_n3A_106 {axis = 0 : i32, kind = #tpu.reduction_kind<arg_min>} : vector<272x256xf32> -> vector<256xi32>
      %broadcast_in_dim3A_111 = vector.shape_cast %argmin3A_110 : vector<256xi32> to vector<1x256xi32>
      %eq3A_112 = vector.broadcast %broadcast_in_dim3A_111 : vector<1x256xi32> to vector<16x256xi32>
      %eq3A_113 = arith.cmpi eq, %iota3A, %eq3A_112 : vector<16x256xi32>
      %jit3A_114 = arith.constant 1073741824 : i32
      %broadcast_in_dim3A_115 = vector.broadcast %jit3A_114 : i32 to vector<16x256xi32>
      %select_n3A_116 = arith.select %eq3A_113, %while3A_31, %broadcast_in_dim3A_115 : vector<16x256xi1>, vector<16x256xi32>
      %reduce_min3A_117 = arith.constant dense<2147483647> : vector<256xi32>
      %reduce_min3A_118 = vector.multi_reduction <minsi>, %select_n3A_116, %reduce_min3A_117 [0] : vector<16x256xi32> to vector<256xi32>
      %broadcast_in_dim3A_119 = vector.shape_cast %reduce_min3A_118 : vector<256xi32> to vector<1x256xi32>
      %lt3A_120 = arith.constant 16 : i32
      %lt3A_121 = vector.broadcast %lt3A_120 : i32 to vector<1x256xi32>
      %lt3A_122 = arith.cmpi slt, %broadcast_in_dim3A_111, %lt3A_121 : vector<1x256xi32>
      %add3A_123 = vector.broadcast %mul3A_35 : i32 to vector<1x256xi32>
      %add3A_124 = arith.addi %add3A_123, %broadcast_in_dim3A_111 : vector<1x256xi32>
      %sub3A_125 = arith.constant 16 : i32
      %sub3A_126 = vector.broadcast %sub3A_125 : i32 to vector<1x256xi32>
      %sub3A_127 = arith.subi %add3A_124, %sub3A_126 : vector<1x256xi32>
      %select_n3A_128 = arith.select %lt3A_122, %broadcast_in_dim3A_119, %sub3A_127 : vector<1x256xi1>, vector<1x256xi32>
      %eq3A_129 = vector.broadcast %broadcast_in_dim3A_111 : vector<1x256xi32> to vector<272x256xi32>
      %eq3A_130 = arith.cmpi eq, %iota3A_10, %eq3A_129 : vector<272x256xi32>
      %jit3A_131 = arith.constant 0x7F800000 : f32
      %broadcast_in_dim3A_132 = vector.broadcast %jit3A_131 : f32 to vector<272x256xf32>
      %select_n3A_133 = arith.select %eq3A_130, %broadcast_in_dim3A_132, %select_n3A_106 : vector<272x256xi1>, vector<272x256xf32>
      %reduce_min3A_134 = arith.constant dense<0x7F800000> : vector<256xf32>
      %reduce_min3A_135 = vector.multi_reduction <minimumf>, %select_n3A_133, %reduce_min3A_134 [0] : vector<272x256xf32> to vector<256xf32>
      %broadcast_in_dim3A_136 = vector.shape_cast %reduce_min3A_135 : vector<256xf32> to vector<1x256xf32>
      %argmin3A_137 = tpu.reduce_index %select_n3A_133 {axis = 0 : i32, kind = #tpu.reduction_kind<arg_min>} : vector<272x256xf32> -> vector<256xi32>
      %broadcast_in_dim3A_138 = vector.shape_cast %argmin3A_137 : vector<256xi32> to vector<1x256xi32>
      %eq3A_139 = vector.broadcast %broadcast_in_dim3A_138 : vector<1x256xi32> to vector<16x256xi32>
      %eq3A_140 = arith.cmpi eq, %iota3A, %eq3A_139 : vector<16x256xi32>
      %jit3A_141 = arith.constant 1073741824 : i32
      %broadcast_in_dim3A_142 = vector.broadcast %jit3A_141 : i32 to vector<16x256xi32>
      %select_n3A_143 = arith.select %eq3A_140, %while3A_31, %broadcast_in_dim3A_142 : vector<16x256xi1>, vector<16x256xi32>
      %reduce_min3A_144 = arith.constant dense<2147483647> : vector<256xi32>
      %reduce_min3A_145 = vector.multi_reduction <minsi>, %select_n3A_143, %reduce_min3A_144 [0] : vector<16x256xi32> to vector<256xi32>
      %broadcast_in_dim3A_146 = vector.shape_cast %reduce_min3A_145 : vector<256xi32> to vector<1x256xi32>
      %lt3A_147 = arith.constant 16 : i32
      %lt3A_148 = vector.broadcast %lt3A_147 : i32 to vector<1x256xi32>
      %lt3A_149 = arith.cmpi slt, %broadcast_in_dim3A_138, %lt3A_148 : vector<1x256xi32>
      %add3A_150 = vector.broadcast %mul3A_35 : i32 to vector<1x256xi32>
      %add3A_151 = arith.addi %add3A_150, %broadcast_in_dim3A_138 : vector<1x256xi32>
      %sub3A_152 = arith.constant 16 : i32
      %sub3A_153 = vector.broadcast %sub3A_152 : i32 to vector<1x256xi32>
      %sub3A_154 = arith.subi %add3A_151, %sub3A_153 : vector<1x256xi32>
      %select_n3A_155 = arith.select %lt3A_149, %broadcast_in_dim3A_146, %sub3A_154 : vector<1x256xi1>, vector<1x256xi32>
      %eq3A_156 = vector.broadcast %broadcast_in_dim3A_138 : vector<1x256xi32> to vector<272x256xi32>
      %eq3A_157 = arith.cmpi eq, %iota3A_10, %eq3A_156 : vector<272x256xi32>
      %jit3A_158 = arith.constant 0x7F800000 : f32
      %broadcast_in_dim3A_159 = vector.broadcast %jit3A_158 : f32 to vector<272x256xf32>
      %select_n3A_160 = arith.select %eq3A_157, %broadcast_in_dim3A_159, %select_n3A_133 : vector<272x256xi1>, vector<272x256xf32>
      %reduce_min3A_161 = arith.constant dense<0x7F800000> : vector<256xf32>
      %reduce_min3A_162 = vector.multi_reduction <minimumf>, %select_n3A_160, %reduce_min3A_161 [0] : vector<272x256xf32> to vector<256xf32>
      %broadcast_in_dim3A_163 = vector.shape_cast %reduce_min3A_162 : vector<256xf32> to vector<1x256xf32>
      %argmin3A_164 = tpu.reduce_index %select_n3A_160 {axis = 0 : i32, kind = #tpu.reduction_kind<arg_min>} : vector<272x256xf32> -> vector<256xi32>
      %broadcast_in_dim3A_165 = vector.shape_cast %argmin3A_164 : vector<256xi32> to vector<1x256xi32>
      %eq3A_166 = vector.broadcast %broadcast_in_dim3A_165 : vector<1x256xi32> to vector<16x256xi32>
      %eq3A_167 = arith.cmpi eq, %iota3A, %eq3A_166 : vector<16x256xi32>
      %jit3A_168 = arith.constant 1073741824 : i32
      %broadcast_in_dim3A_169 = vector.broadcast %jit3A_168 : i32 to vector<16x256xi32>
      %select_n3A_170 = arith.select %eq3A_167, %while3A_31, %broadcast_in_dim3A_169 : vector<16x256xi1>, vector<16x256xi32>
      %reduce_min3A_171 = arith.constant dense<2147483647> : vector<256xi32>
      %reduce_min3A_172 = vector.multi_reduction <minsi>, %select_n3A_170, %reduce_min3A_171 [0] : vector<16x256xi32> to vector<256xi32>
      %broadcast_in_dim3A_173 = vector.shape_cast %reduce_min3A_172 : vector<256xi32> to vector<1x256xi32>
      %lt3A_174 = arith.constant 16 : i32
      %lt3A_175 = vector.broadcast %lt3A_174 : i32 to vector<1x256xi32>
      %lt3A_176 = arith.cmpi slt, %broadcast_in_dim3A_165, %lt3A_175 : vector<1x256xi32>
      %add3A_177 = vector.broadcast %mul3A_35 : i32 to vector<1x256xi32>
      %add3A_178 = arith.addi %add3A_177, %broadcast_in_dim3A_165 : vector<1x256xi32>
      %sub3A_179 = arith.constant 16 : i32
      %sub3A_180 = vector.broadcast %sub3A_179 : i32 to vector<1x256xi32>
      %sub3A_181 = arith.subi %add3A_178, %sub3A_180 : vector<1x256xi32>
      %select_n3A_182 = arith.select %lt3A_176, %broadcast_in_dim3A_173, %sub3A_181 : vector<1x256xi1>, vector<1x256xi32>
      %eq3A_183 = vector.broadcast %broadcast_in_dim3A_165 : vector<1x256xi32> to vector<272x256xi32>
      %eq3A_184 = arith.cmpi eq, %iota3A_10, %eq3A_183 : vector<272x256xi32>
      %jit3A_185 = arith.constant 0x7F800000 : f32
      %broadcast_in_dim3A_186 = vector.broadcast %jit3A_185 : f32 to vector<272x256xf32>
      %select_n3A_187 = arith.select %eq3A_184, %broadcast_in_dim3A_186, %select_n3A_160 : vector<272x256xi1>, vector<272x256xf32>
      %reduce_min3A_188 = arith.constant dense<0x7F800000> : vector<256xf32>
      %reduce_min3A_189 = vector.multi_reduction <minimumf>, %select_n3A_187, %reduce_min3A_188 [0] : vector<272x256xf32> to vector<256xf32>
      %broadcast_in_dim3A_190 = vector.shape_cast %reduce_min3A_189 : vector<256xf32> to vector<1x256xf32>
      %argmin3A_191 = tpu.reduce_index %select_n3A_187 {axis = 0 : i32, kind = #tpu.reduction_kind<arg_min>} : vector<272x256xf32> -> vector<256xi32>
      %broadcast_in_dim3A_192 = vector.shape_cast %argmin3A_191 : vector<256xi32> to vector<1x256xi32>
      %eq3A_193 = vector.broadcast %broadcast_in_dim3A_192 : vector<1x256xi32> to vector<16x256xi32>
      %eq3A_194 = arith.cmpi eq, %iota3A, %eq3A_193 : vector<16x256xi32>
      %jit3A_195 = arith.constant 1073741824 : i32
      %broadcast_in_dim3A_196 = vector.broadcast %jit3A_195 : i32 to vector<16x256xi32>
      %select_n3A_197 = arith.select %eq3A_194, %while3A_31, %broadcast_in_dim3A_196 : vector<16x256xi1>, vector<16x256xi32>
      %reduce_min3A_198 = arith.constant dense<2147483647> : vector<256xi32>
      %reduce_min3A_199 = vector.multi_reduction <minsi>, %select_n3A_197, %reduce_min3A_198 [0] : vector<16x256xi32> to vector<256xi32>
      %broadcast_in_dim3A_200 = vector.shape_cast %reduce_min3A_199 : vector<256xi32> to vector<1x256xi32>
      %lt3A_201 = arith.constant 16 : i32
      %lt3A_202 = vector.broadcast %lt3A_201 : i32 to vector<1x256xi32>
      %lt3A_203 = arith.cmpi slt, %broadcast_in_dim3A_192, %lt3A_202 : vector<1x256xi32>
      %add3A_204 = vector.broadcast %mul3A_35 : i32 to vector<1x256xi32>
      %add3A_205 = arith.addi %add3A_204, %broadcast_in_dim3A_192 : vector<1x256xi32>
      %sub3A_206 = arith.constant 16 : i32
      %sub3A_207 = vector.broadcast %sub3A_206 : i32 to vector<1x256xi32>
      %sub3A_208 = arith.subi %add3A_205, %sub3A_207 : vector<1x256xi32>
      %select_n3A_209 = arith.select %lt3A_203, %broadcast_in_dim3A_200, %sub3A_208 : vector<1x256xi1>, vector<1x256xi32>
      %eq3A_210 = vector.broadcast %broadcast_in_dim3A_192 : vector<1x256xi32> to vector<272x256xi32>
      %eq3A_211 = arith.cmpi eq, %iota3A_10, %eq3A_210 : vector<272x256xi32>
      %jit3A_212 = arith.constant 0x7F800000 : f32
      %broadcast_in_dim3A_213 = vector.broadcast %jit3A_212 : f32 to vector<272x256xf32>
      %select_n3A_214 = arith.select %eq3A_211, %broadcast_in_dim3A_213, %select_n3A_187 : vector<272x256xi1>, vector<272x256xf32>
      %reduce_min3A_215 = arith.constant dense<0x7F800000> : vector<256xf32>
      %reduce_min3A_216 = vector.multi_reduction <minimumf>, %select_n3A_214, %reduce_min3A_215 [0] : vector<272x256xf32> to vector<256xf32>
      %broadcast_in_dim3A_217 = vector.shape_cast %reduce_min3A_216 : vector<256xf32> to vector<1x256xf32>
      %argmin3A_218 = tpu.reduce_index %select_n3A_214 {axis = 0 : i32, kind = #tpu.reduction_kind<arg_min>} : vector<272x256xf32> -> vector<256xi32>
      %broadcast_in_dim3A_219 = vector.shape_cast %argmin3A_218 : vector<256xi32> to vector<1x256xi32>
      %eq3A_220 = vector.broadcast %broadcast_in_dim3A_219 : vector<1x256xi32> to vector<16x256xi32>
      %eq3A_221 = arith.cmpi eq, %iota3A, %eq3A_220 : vector<16x256xi32>
      %jit3A_222 = arith.constant 1073741824 : i32
      %broadcast_in_dim3A_223 = vector.broadcast %jit3A_222 : i32 to vector<16x256xi32>
      %select_n3A_224 = arith.select %eq3A_221, %while3A_31, %broadcast_in_dim3A_223 : vector<16x256xi1>, vector<16x256xi32>
      %reduce_min3A_225 = arith.constant dense<2147483647> : vector<256xi32>
      %reduce_min3A_226 = vector.multi_reduction <minsi>, %select_n3A_224, %reduce_min3A_225 [0] : vector<16x256xi32> to vector<256xi32>
      %broadcast_in_dim3A_227 = vector.shape_cast %reduce_min3A_226 : vector<256xi32> to vector<1x256xi32>
      %lt3A_228 = arith.constant 16 : i32
      %lt3A_229 = vector.broadcast %lt3A_228 : i32 to vector<1x256xi32>
      %lt3A_230 = arith.cmpi slt, %broadcast_in_dim3A_219, %lt3A_229 : vector<1x256xi32>
      %add3A_231 = vector.broadcast %mul3A_35 : i32 to vector<1x256xi32>
      %add3A_232 = arith.addi %add3A_231, %broadcast_in_dim3A_219 : vector<1x256xi32>
      %sub3A_233 = arith.constant 16 : i32
      %sub3A_234 = vector.broadcast %sub3A_233 : i32 to vector<1x256xi32>
      %sub3A_235 = arith.subi %add3A_232, %sub3A_234 : vector<1x256xi32>
      %select_n3A_236 = arith.select %lt3A_230, %broadcast_in_dim3A_227, %sub3A_235 : vector<1x256xi1>, vector<1x256xi32>
      %eq3A_237 = vector.broadcast %broadcast_in_dim3A_219 : vector<1x256xi32> to vector<272x256xi32>
      %eq3A_238 = arith.cmpi eq, %iota3A_10, %eq3A_237 : vector<272x256xi32>
      %jit3A_239 = arith.constant 0x7F800000 : f32
      %broadcast_in_dim3A_240 = vector.broadcast %jit3A_239 : f32 to vector<272x256xf32>
      %select_n3A_241 = arith.select %eq3A_238, %broadcast_in_dim3A_240, %select_n3A_214 : vector<272x256xi1>, vector<272x256xf32>
      %reduce_min3A_242 = arith.constant dense<0x7F800000> : vector<256xf32>
      %reduce_min3A_243 = vector.multi_reduction <minimumf>, %select_n3A_241, %reduce_min3A_242 [0] : vector<272x256xf32> to vector<256xf32>
      %broadcast_in_dim3A_244 = vector.shape_cast %reduce_min3A_243 : vector<256xf32> to vector<1x256xf32>
      %argmin3A_245 = tpu.reduce_index %select_n3A_241 {axis = 0 : i32, kind = #tpu.reduction_kind<arg_min>} : vector<272x256xf32> -> vector<256xi32>
      %broadcast_in_dim3A_246 = vector.shape_cast %argmin3A_245 : vector<256xi32> to vector<1x256xi32>
      %eq3A_247 = vector.broadcast %broadcast_in_dim3A_246 : vector<1x256xi32> to vector<16x256xi32>
      %eq3A_248 = arith.cmpi eq, %iota3A, %eq3A_247 : vector<16x256xi32>
      %jit3A_249 = arith.constant 1073741824 : i32
      %broadcast_in_dim3A_250 = vector.broadcast %jit3A_249 : i32 to vector<16x256xi32>
      %select_n3A_251 = arith.select %eq3A_248, %while3A_31, %broadcast_in_dim3A_250 : vector<16x256xi1>, vector<16x256xi32>
      %reduce_min3A_252 = arith.constant dense<2147483647> : vector<256xi32>
      %reduce_min3A_253 = vector.multi_reduction <minsi>, %select_n3A_251, %reduce_min3A_252 [0] : vector<16x256xi32> to vector<256xi32>
      %broadcast_in_dim3A_254 = vector.shape_cast %reduce_min3A_253 : vector<256xi32> to vector<1x256xi32>
      %lt3A_255 = arith.constant 16 : i32
      %lt3A_256 = vector.broadcast %lt3A_255 : i32 to vector<1x256xi32>
      %lt3A_257 = arith.cmpi slt, %broadcast_in_dim3A_246, %lt3A_256 : vector<1x256xi32>
      %add3A_258 = vector.broadcast %mul3A_35 : i32 to vector<1x256xi32>
      %add3A_259 = arith.addi %add3A_258, %broadcast_in_dim3A_246 : vector<1x256xi32>
      %sub3A_260 = arith.constant 16 : i32
      %sub3A_261 = vector.broadcast %sub3A_260 : i32 to vector<1x256xi32>
      %sub3A_262 = arith.subi %add3A_259, %sub3A_261 : vector<1x256xi32>
      %select_n3A_263 = arith.select %lt3A_257, %broadcast_in_dim3A_254, %sub3A_262 : vector<1x256xi1>, vector<1x256xi32>
      %eq3A_264 = vector.broadcast %broadcast_in_dim3A_246 : vector<1x256xi32> to vector<272x256xi32>
      %eq3A_265 = arith.cmpi eq, %iota3A_10, %eq3A_264 : vector<272x256xi32>
      %jit3A_266 = arith.constant 0x7F800000 : f32
      %broadcast_in_dim3A_267 = vector.broadcast %jit3A_266 : f32 to vector<272x256xf32>
      %select_n3A_268 = arith.select %eq3A_265, %broadcast_in_dim3A_267, %select_n3A_241 : vector<272x256xi1>, vector<272x256xf32>
      %reduce_min3A_269 = arith.constant dense<0x7F800000> : vector<256xf32>
      %reduce_min3A_270 = vector.multi_reduction <minimumf>, %select_n3A_268, %reduce_min3A_269 [0] : vector<272x256xf32> to vector<256xf32>
      %broadcast_in_dim3A_271 = vector.shape_cast %reduce_min3A_270 : vector<256xf32> to vector<1x256xf32>
      %argmin3A_272 = tpu.reduce_index %select_n3A_268 {axis = 0 : i32, kind = #tpu.reduction_kind<arg_min>} : vector<272x256xf32> -> vector<256xi32>
      %broadcast_in_dim3A_273 = vector.shape_cast %argmin3A_272 : vector<256xi32> to vector<1x256xi32>
      %eq3A_274 = vector.broadcast %broadcast_in_dim3A_273 : vector<1x256xi32> to vector<16x256xi32>
      %eq3A_275 = arith.cmpi eq, %iota3A, %eq3A_274 : vector<16x256xi32>
      %jit3A_276 = arith.constant 1073741824 : i32
      %broadcast_in_dim3A_277 = vector.broadcast %jit3A_276 : i32 to vector<16x256xi32>
      %select_n3A_278 = arith.select %eq3A_275, %while3A_31, %broadcast_in_dim3A_277 : vector<16x256xi1>, vector<16x256xi32>
      %reduce_min3A_279 = arith.constant dense<2147483647> : vector<256xi32>
      %reduce_min3A_280 = vector.multi_reduction <minsi>, %select_n3A_278, %reduce_min3A_279 [0] : vector<16x256xi32> to vector<256xi32>
      %broadcast_in_dim3A_281 = vector.shape_cast %reduce_min3A_280 : vector<256xi32> to vector<1x256xi32>
      %lt3A_282 = arith.constant 16 : i32
      %lt3A_283 = vector.broadcast %lt3A_282 : i32 to vector<1x256xi32>
      %lt3A_284 = arith.cmpi slt, %broadcast_in_dim3A_273, %lt3A_283 : vector<1x256xi32>
      %add3A_285 = vector.broadcast %mul3A_35 : i32 to vector<1x256xi32>
      %add3A_286 = arith.addi %add3A_285, %broadcast_in_dim3A_273 : vector<1x256xi32>
      %sub3A_287 = arith.constant 16 : i32
      %sub3A_288 = vector.broadcast %sub3A_287 : i32 to vector<1x256xi32>
      %sub3A_289 = arith.subi %add3A_286, %sub3A_288 : vector<1x256xi32>
      %select_n3A_290 = arith.select %lt3A_284, %broadcast_in_dim3A_281, %sub3A_289 : vector<1x256xi1>, vector<1x256xi32>
      %eq3A_291 = vector.broadcast %broadcast_in_dim3A_273 : vector<1x256xi32> to vector<272x256xi32>
      %eq3A_292 = arith.cmpi eq, %iota3A_10, %eq3A_291 : vector<272x256xi32>
      %jit3A_293 = arith.constant 0x7F800000 : f32
      %broadcast_in_dim3A_294 = vector.broadcast %jit3A_293 : f32 to vector<272x256xf32>
      %select_n3A_295 = arith.select %eq3A_292, %broadcast_in_dim3A_294, %select_n3A_268 : vector<272x256xi1>, vector<272x256xf32>
      %reduce_min3A_296 = arith.constant dense<0x7F800000> : vector<256xf32>
      %reduce_min3A_297 = vector.multi_reduction <minimumf>, %select_n3A_295, %reduce_min3A_296 [0] : vector<272x256xf32> to vector<256xf32>
      %broadcast_in_dim3A_298 = vector.shape_cast %reduce_min3A_297 : vector<256xf32> to vector<1x256xf32>
      %argmin3A_299 = tpu.reduce_index %select_n3A_295 {axis = 0 : i32, kind = #tpu.reduction_kind<arg_min>} : vector<272x256xf32> -> vector<256xi32>
      %broadcast_in_dim3A_300 = vector.shape_cast %argmin3A_299 : vector<256xi32> to vector<1x256xi32>
      %eq3A_301 = vector.broadcast %broadcast_in_dim3A_300 : vector<1x256xi32> to vector<16x256xi32>
      %eq3A_302 = arith.cmpi eq, %iota3A, %eq3A_301 : vector<16x256xi32>
      %jit3A_303 = arith.constant 1073741824 : i32
      %broadcast_in_dim3A_304 = vector.broadcast %jit3A_303 : i32 to vector<16x256xi32>
      %select_n3A_305 = arith.select %eq3A_302, %while3A_31, %broadcast_in_dim3A_304 : vector<16x256xi1>, vector<16x256xi32>
      %reduce_min3A_306 = arith.constant dense<2147483647> : vector<256xi32>
      %reduce_min3A_307 = vector.multi_reduction <minsi>, %select_n3A_305, %reduce_min3A_306 [0] : vector<16x256xi32> to vector<256xi32>
      %broadcast_in_dim3A_308 = vector.shape_cast %reduce_min3A_307 : vector<256xi32> to vector<1x256xi32>
      %lt3A_309 = arith.constant 16 : i32
      %lt3A_310 = vector.broadcast %lt3A_309 : i32 to vector<1x256xi32>
      %lt3A_311 = arith.cmpi slt, %broadcast_in_dim3A_300, %lt3A_310 : vector<1x256xi32>
      %add3A_312 = vector.broadcast %mul3A_35 : i32 to vector<1x256xi32>
      %add3A_313 = arith.addi %add3A_312, %broadcast_in_dim3A_300 : vector<1x256xi32>
      %sub3A_314 = arith.constant 16 : i32
      %sub3A_315 = vector.broadcast %sub3A_314 : i32 to vector<1x256xi32>
      %sub3A_316 = arith.subi %add3A_313, %sub3A_315 : vector<1x256xi32>
      %select_n3A_317 = arith.select %lt3A_311, %broadcast_in_dim3A_308, %sub3A_316 : vector<1x256xi1>, vector<1x256xi32>
      %eq3A_318 = vector.broadcast %broadcast_in_dim3A_300 : vector<1x256xi32> to vector<272x256xi32>
      %eq3A_319 = arith.cmpi eq, %iota3A_10, %eq3A_318 : vector<272x256xi32>
      %jit3A_320 = arith.constant 0x7F800000 : f32
      %broadcast_in_dim3A_321 = vector.broadcast %jit3A_320 : f32 to vector<272x256xf32>
      %select_n3A_322 = arith.select %eq3A_319, %broadcast_in_dim3A_321, %select_n3A_295 : vector<272x256xi1>, vector<272x256xf32>
      %reduce_min3A_323 = arith.constant dense<0x7F800000> : vector<256xf32>
      %reduce_min3A_324 = vector.multi_reduction <minimumf>, %select_n3A_322, %reduce_min3A_323 [0] : vector<272x256xf32> to vector<256xf32>
      %broadcast_in_dim3A_325 = vector.shape_cast %reduce_min3A_324 : vector<256xf32> to vector<1x256xf32>
      %argmin3A_326 = tpu.reduce_index %select_n3A_322 {axis = 0 : i32, kind = #tpu.reduction_kind<arg_min>} : vector<272x256xf32> -> vector<256xi32>
      %broadcast_in_dim3A_327 = vector.shape_cast %argmin3A_326 : vector<256xi32> to vector<1x256xi32>
      %eq3A_328 = vector.broadcast %broadcast_in_dim3A_327 : vector<1x256xi32> to vector<16x256xi32>
      %eq3A_329 = arith.cmpi eq, %iota3A, %eq3A_328 : vector<16x256xi32>
      %jit3A_330 = arith.constant 1073741824 : i32
      %broadcast_in_dim3A_331 = vector.broadcast %jit3A_330 : i32 to vector<16x256xi32>
      %select_n3A_332 = arith.select %eq3A_329, %while3A_31, %broadcast_in_dim3A_331 : vector<16x256xi1>, vector<16x256xi32>
      %reduce_min3A_333 = arith.constant dense<2147483647> : vector<256xi32>
      %reduce_min3A_334 = vector.multi_reduction <minsi>, %select_n3A_332, %reduce_min3A_333 [0] : vector<16x256xi32> to vector<256xi32>
      %broadcast_in_dim3A_335 = vector.shape_cast %reduce_min3A_334 : vector<256xi32> to vector<1x256xi32>
      %lt3A_336 = arith.constant 16 : i32
      %lt3A_337 = vector.broadcast %lt3A_336 : i32 to vector<1x256xi32>
      %lt3A_338 = arith.cmpi slt, %broadcast_in_dim3A_327, %lt3A_337 : vector<1x256xi32>
      %add3A_339 = vector.broadcast %mul3A_35 : i32 to vector<1x256xi32>
      %add3A_340 = arith.addi %add3A_339, %broadcast_in_dim3A_327 : vector<1x256xi32>
      %sub3A_341 = arith.constant 16 : i32
      %sub3A_342 = vector.broadcast %sub3A_341 : i32 to vector<1x256xi32>
      %sub3A_343 = arith.subi %add3A_340, %sub3A_342 : vector<1x256xi32>
      %select_n3A_344 = arith.select %lt3A_338, %broadcast_in_dim3A_335, %sub3A_343 : vector<1x256xi1>, vector<1x256xi32>
      %eq3A_345 = vector.broadcast %broadcast_in_dim3A_327 : vector<1x256xi32> to vector<272x256xi32>
      %eq3A_346 = arith.cmpi eq, %iota3A_10, %eq3A_345 : vector<272x256xi32>
      %jit3A_347 = arith.constant 0x7F800000 : f32
      %broadcast_in_dim3A_348 = vector.broadcast %jit3A_347 : f32 to vector<272x256xf32>
      %select_n3A_349 = arith.select %eq3A_346, %broadcast_in_dim3A_348, %select_n3A_322 : vector<272x256xi1>, vector<272x256xf32>
      %reduce_min3A_350 = arith.constant dense<0x7F800000> : vector<256xf32>
      %reduce_min3A_351 = vector.multi_reduction <minimumf>, %select_n3A_349, %reduce_min3A_350 [0] : vector<272x256xf32> to vector<256xf32>
      %broadcast_in_dim3A_352 = vector.shape_cast %reduce_min3A_351 : vector<256xf32> to vector<1x256xf32>
      %argmin3A_353 = tpu.reduce_index %select_n3A_349 {axis = 0 : i32, kind = #tpu.reduction_kind<arg_min>} : vector<272x256xf32> -> vector<256xi32>
      %broadcast_in_dim3A_354 = vector.shape_cast %argmin3A_353 : vector<256xi32> to vector<1x256xi32>
      %eq3A_355 = vector.broadcast %broadcast_in_dim3A_354 : vector<1x256xi32> to vector<16x256xi32>
      %eq3A_356 = arith.cmpi eq, %iota3A, %eq3A_355 : vector<16x256xi32>
      %jit3A_357 = arith.constant 1073741824 : i32
      %broadcast_in_dim3A_358 = vector.broadcast %jit3A_357 : i32 to vector<16x256xi32>
      %select_n3A_359 = arith.select %eq3A_356, %while3A_31, %broadcast_in_dim3A_358 : vector<16x256xi1>, vector<16x256xi32>
      %reduce_min3A_360 = arith.constant dense<2147483647> : vector<256xi32>
      %reduce_min3A_361 = vector.multi_reduction <minsi>, %select_n3A_359, %reduce_min3A_360 [0] : vector<16x256xi32> to vector<256xi32>
      %broadcast_in_dim3A_362 = vector.shape_cast %reduce_min3A_361 : vector<256xi32> to vector<1x256xi32>
      %lt3A_363 = arith.constant 16 : i32
      %lt3A_364 = vector.broadcast %lt3A_363 : i32 to vector<1x256xi32>
      %lt3A_365 = arith.cmpi slt, %broadcast_in_dim3A_354, %lt3A_364 : vector<1x256xi32>
      %add3A_366 = vector.broadcast %mul3A_35 : i32 to vector<1x256xi32>
      %add3A_367 = arith.addi %add3A_366, %broadcast_in_dim3A_354 : vector<1x256xi32>
      %sub3A_368 = arith.constant 16 : i32
      %sub3A_369 = vector.broadcast %sub3A_368 : i32 to vector<1x256xi32>
      %sub3A_370 = arith.subi %add3A_367, %sub3A_369 : vector<1x256xi32>
      %select_n3A_371 = arith.select %lt3A_365, %broadcast_in_dim3A_362, %sub3A_370 : vector<1x256xi1>, vector<1x256xi32>
      %eq3A_372 = vector.broadcast %broadcast_in_dim3A_354 : vector<1x256xi32> to vector<272x256xi32>
      %eq3A_373 = arith.cmpi eq, %iota3A_10, %eq3A_372 : vector<272x256xi32>
      %jit3A_374 = arith.constant 0x7F800000 : f32
      %broadcast_in_dim3A_375 = vector.broadcast %jit3A_374 : f32 to vector<272x256xf32>
      %select_n3A_376 = arith.select %eq3A_373, %broadcast_in_dim3A_375, %select_n3A_349 : vector<272x256xi1>, vector<272x256xf32>
      %reduce_min3A_377 = arith.constant dense<0x7F800000> : vector<256xf32>
      %reduce_min3A_378 = vector.multi_reduction <minimumf>, %select_n3A_376, %reduce_min3A_377 [0] : vector<272x256xf32> to vector<256xf32>
      %broadcast_in_dim3A_379 = vector.shape_cast %reduce_min3A_378 : vector<256xf32> to vector<1x256xf32>
      %argmin3A_380 = tpu.reduce_index %select_n3A_376 {axis = 0 : i32, kind = #tpu.reduction_kind<arg_min>} : vector<272x256xf32> -> vector<256xi32>
      %broadcast_in_dim3A_381 = vector.shape_cast %argmin3A_380 : vector<256xi32> to vector<1x256xi32>
      %eq3A_382 = vector.broadcast %broadcast_in_dim3A_381 : vector<1x256xi32> to vector<16x256xi32>
      %eq3A_383 = arith.cmpi eq, %iota3A, %eq3A_382 : vector<16x256xi32>
      %jit3A_384 = arith.constant 1073741824 : i32
      %broadcast_in_dim3A_385 = vector.broadcast %jit3A_384 : i32 to vector<16x256xi32>
      %select_n3A_386 = arith.select %eq3A_383, %while3A_31, %broadcast_in_dim3A_385 : vector<16x256xi1>, vector<16x256xi32>
      %reduce_min3A_387 = arith.constant dense<2147483647> : vector<256xi32>
      %reduce_min3A_388 = vector.multi_reduction <minsi>, %select_n3A_386, %reduce_min3A_387 [0] : vector<16x256xi32> to vector<256xi32>
      %broadcast_in_dim3A_389 = vector.shape_cast %reduce_min3A_388 : vector<256xi32> to vector<1x256xi32>
      %lt3A_390 = arith.constant 16 : i32
      %lt3A_391 = vector.broadcast %lt3A_390 : i32 to vector<1x256xi32>
      %lt3A_392 = arith.cmpi slt, %broadcast_in_dim3A_381, %lt3A_391 : vector<1x256xi32>
      %add3A_393 = vector.broadcast %mul3A_35 : i32 to vector<1x256xi32>
      %add3A_394 = arith.addi %add3A_393, %broadcast_in_dim3A_381 : vector<1x256xi32>
      %sub3A_395 = arith.constant 16 : i32
      %sub3A_396 = vector.broadcast %sub3A_395 : i32 to vector<1x256xi32>
      %sub3A_397 = arith.subi %add3A_394, %sub3A_396 : vector<1x256xi32>
      %select_n3A_398 = arith.select %lt3A_392, %broadcast_in_dim3A_389, %sub3A_397 : vector<1x256xi1>, vector<1x256xi32>
      %eq3A_399 = vector.broadcast %broadcast_in_dim3A_381 : vector<1x256xi32> to vector<272x256xi32>
      %eq3A_400 = arith.cmpi eq, %iota3A_10, %eq3A_399 : vector<272x256xi32>
      %jit3A_401 = arith.constant 0x7F800000 : f32
      %broadcast_in_dim3A_402 = vector.broadcast %jit3A_401 : f32 to vector<272x256xf32>
      %select_n3A_403 = arith.select %eq3A_400, %broadcast_in_dim3A_402, %select_n3A_376 : vector<272x256xi1>, vector<272x256xf32>
      %reduce_min3A_404 = arith.constant dense<0x7F800000> : vector<256xf32>
      %reduce_min3A_405 = vector.multi_reduction <minimumf>, %select_n3A_403, %reduce_min3A_404 [0] : vector<272x256xf32> to vector<256xf32>
      %broadcast_in_dim3A_406 = vector.shape_cast %reduce_min3A_405 : vector<256xf32> to vector<1x256xf32>
      %argmin3A_407 = tpu.reduce_index %select_n3A_403 {axis = 0 : i32, kind = #tpu.reduction_kind<arg_min>} : vector<272x256xf32> -> vector<256xi32>
      %broadcast_in_dim3A_408 = vector.shape_cast %argmin3A_407 : vector<256xi32> to vector<1x256xi32>
      %eq3A_409 = vector.broadcast %broadcast_in_dim3A_408 : vector<1x256xi32> to vector<16x256xi32>
      %eq3A_410 = arith.cmpi eq, %iota3A, %eq3A_409 : vector<16x256xi32>
      %jit3A_411 = arith.constant 1073741824 : i32
      %broadcast_in_dim3A_412 = vector.broadcast %jit3A_411 : i32 to vector<16x256xi32>
      %select_n3A_413 = arith.select %eq3A_410, %while3A_31, %broadcast_in_dim3A_412 : vector<16x256xi1>, vector<16x256xi32>
      %reduce_min3A_414 = arith.constant dense<2147483647> : vector<256xi32>
      %reduce_min3A_415 = vector.multi_reduction <minsi>, %select_n3A_413, %reduce_min3A_414 [0] : vector<16x256xi32> to vector<256xi32>
      %broadcast_in_dim3A_416 = vector.shape_cast %reduce_min3A_415 : vector<256xi32> to vector<1x256xi32>
      %lt3A_417 = arith.constant 16 : i32
      %lt3A_418 = vector.broadcast %lt3A_417 : i32 to vector<1x256xi32>
      %lt3A_419 = arith.cmpi slt, %broadcast_in_dim3A_408, %lt3A_418 : vector<1x256xi32>
      %add3A_420 = vector.broadcast %mul3A_35 : i32 to vector<1x256xi32>
      %add3A_421 = arith.addi %add3A_420, %broadcast_in_dim3A_408 : vector<1x256xi32>
      %sub3A_422 = arith.constant 16 : i32
      %sub3A_423 = vector.broadcast %sub3A_422 : i32 to vector<1x256xi32>
      %sub3A_424 = arith.subi %add3A_421, %sub3A_423 : vector<1x256xi32>
      %select_n3A_425 = arith.select %lt3A_419, %broadcast_in_dim3A_416, %sub3A_424 : vector<1x256xi1>, vector<1x256xi32>
      %eq3A_426 = vector.broadcast %broadcast_in_dim3A_408 : vector<1x256xi32> to vector<272x256xi32>
      %eq3A_427 = arith.cmpi eq, %iota3A_10, %eq3A_426 : vector<272x256xi32>
      %jit3A_428 = arith.constant 0x7F800000 : f32
      %broadcast_in_dim3A_429 = vector.broadcast %jit3A_428 : f32 to vector<272x256xf32>
      %select_n3A_430 = arith.select %eq3A_427, %broadcast_in_dim3A_429, %select_n3A_403 : vector<272x256xi1>, vector<272x256xf32>
      %reduce_min3A_431 = arith.constant dense<0x7F800000> : vector<256xf32>
      %reduce_min3A_432 = vector.multi_reduction <minimumf>, %select_n3A_430, %reduce_min3A_431 [0] : vector<272x256xf32> to vector<256xf32>
      %broadcast_in_dim3A_433 = vector.shape_cast %reduce_min3A_432 : vector<256xf32> to vector<1x256xf32>
      %argmin3A_434 = tpu.reduce_index %select_n3A_430 {axis = 0 : i32, kind = #tpu.reduction_kind<arg_min>} : vector<272x256xf32> -> vector<256xi32>
      %broadcast_in_dim3A_435 = vector.shape_cast %argmin3A_434 : vector<256xi32> to vector<1x256xi32>
      %eq3A_436 = vector.broadcast %broadcast_in_dim3A_435 : vector<1x256xi32> to vector<16x256xi32>
      %eq3A_437 = arith.cmpi eq, %iota3A, %eq3A_436 : vector<16x256xi32>
      %jit3A_438 = arith.constant 1073741824 : i32
      %broadcast_in_dim3A_439 = vector.broadcast %jit3A_438 : i32 to vector<16x256xi32>
      %select_n3A_440 = arith.select %eq3A_437, %while3A_31, %broadcast_in_dim3A_439 : vector<16x256xi1>, vector<16x256xi32>
      %reduce_min3A_441 = arith.constant dense<2147483647> : vector<256xi32>
      %reduce_min3A_442 = vector.multi_reduction <minsi>, %select_n3A_440, %reduce_min3A_441 [0] : vector<16x256xi32> to vector<256xi32>
      %broadcast_in_dim3A_443 = vector.shape_cast %reduce_min3A_442 : vector<256xi32> to vector<1x256xi32>
      %lt3A_444 = arith.constant 16 : i32
      %lt3A_445 = vector.broadcast %lt3A_444 : i32 to vector<1x256xi32>
      %lt3A_446 = arith.cmpi slt, %broadcast_in_dim3A_435, %lt3A_445 : vector<1x256xi32>
      %add3A_447 = vector.broadcast %mul3A_35 : i32 to vector<1x256xi32>
      %add3A_448 = arith.addi %add3A_447, %broadcast_in_dim3A_435 : vector<1x256xi32>
      %sub3A_449 = arith.constant 16 : i32
      %sub3A_450 = vector.broadcast %sub3A_449 : i32 to vector<1x256xi32>
      %sub3A_451 = arith.subi %add3A_448, %sub3A_450 : vector<1x256xi32>
      %select_n3A_452 = arith.select %lt3A_446, %broadcast_in_dim3A_443, %sub3A_451 : vector<1x256xi1>, vector<1x256xi32>
      %eq3A_453 = vector.broadcast %broadcast_in_dim3A_435 : vector<1x256xi32> to vector<272x256xi32>
      %eq3A_454 = arith.cmpi eq, %iota3A_10, %eq3A_453 : vector<272x256xi32>
      %jit3A_455 = arith.constant 0x7F800000 : f32
      %broadcast_in_dim3A_456 = vector.broadcast %jit3A_455 : f32 to vector<272x256xf32>
      %select_n3A_457 = arith.select %eq3A_454, %broadcast_in_dim3A_456, %select_n3A_430 : vector<272x256xi1>, vector<272x256xf32>
      %reduce_min3A_458 = arith.constant dense<0x7F800000> : vector<256xf32>
      %reduce_min3A_459 = vector.multi_reduction <minimumf>, %select_n3A_457, %reduce_min3A_458 [0] : vector<272x256xf32> to vector<256xf32>
      %broadcast_in_dim3A_460 = vector.shape_cast %reduce_min3A_459 : vector<256xf32> to vector<1x256xf32>
      %argmin3A_461 = tpu.reduce_index %select_n3A_457 {axis = 0 : i32, kind = #tpu.reduction_kind<arg_min>} : vector<272x256xf32> -> vector<256xi32>
      %broadcast_in_dim3A_462 = vector.shape_cast %argmin3A_461 : vector<256xi32> to vector<1x256xi32>
      %eq3A_463 = vector.broadcast %broadcast_in_dim3A_462 : vector<1x256xi32> to vector<16x256xi32>
      %eq3A_464 = arith.cmpi eq, %iota3A, %eq3A_463 : vector<16x256xi32>
      %jit3A_465 = arith.constant 1073741824 : i32
      %broadcast_in_dim3A_466 = vector.broadcast %jit3A_465 : i32 to vector<16x256xi32>
      %select_n3A_467 = arith.select %eq3A_464, %while3A_31, %broadcast_in_dim3A_466 : vector<16x256xi1>, vector<16x256xi32>
      %reduce_min3A_468 = arith.constant dense<2147483647> : vector<256xi32>
      %reduce_min3A_469 = vector.multi_reduction <minsi>, %select_n3A_467, %reduce_min3A_468 [0] : vector<16x256xi32> to vector<256xi32>
      %broadcast_in_dim3A_470 = vector.shape_cast %reduce_min3A_469 : vector<256xi32> to vector<1x256xi32>
      %lt3A_471 = arith.constant 16 : i32
      %lt3A_472 = vector.broadcast %lt3A_471 : i32 to vector<1x256xi32>
      %lt3A_473 = arith.cmpi slt, %broadcast_in_dim3A_462, %lt3A_472 : vector<1x256xi32>
      %add3A_474 = vector.broadcast %mul3A_35 : i32 to vector<1x256xi32>
      %add3A_475 = arith.addi %add3A_474, %broadcast_in_dim3A_462 : vector<1x256xi32>
      %sub3A_476 = arith.constant 16 : i32
      %sub3A_477 = vector.broadcast %sub3A_476 : i32 to vector<1x256xi32>
      %sub3A_478 = arith.subi %add3A_475, %sub3A_477 : vector<1x256xi32>
      %select_n3A_479 = arith.select %lt3A_473, %broadcast_in_dim3A_470, %sub3A_478 : vector<1x256xi1>, vector<1x256xi32>
      %concatenate3A_480 = tpu.concatenate %broadcast_in_dim3A_57, %broadcast_in_dim3A_82, %broadcast_in_dim3A_109, %broadcast_in_dim3A_136, %broadcast_in_dim3A_163, %broadcast_in_dim3A_190, %broadcast_in_dim3A_217, %broadcast_in_dim3A_244, %broadcast_in_dim3A_271, %broadcast_in_dim3A_298, %broadcast_in_dim3A_325, %broadcast_in_dim3A_352, %broadcast_in_dim3A_379, %broadcast_in_dim3A_406, %broadcast_in_dim3A_433, %broadcast_in_dim3A_460 in 0 : vector<1x256xf32>, vector<1x256xf32>, vector<1x256xf32>, vector<1x256xf32>, vector<1x256xf32>, vector<1x256xf32>, vector<1x256xf32>, vector<1x256xf32>, vector<1x256xf32>, vector<1x256xf32>, vector<1x256xf32>, vector<1x256xf32>, vector<1x256xf32>, vector<1x256xf32>, vector<1x256xf32>, vector<1x256xf32> -> vector<16x256xf32>
      %concatenate3A_481 = tpu.concatenate %select_n3A_74, %select_n3A_101, %select_n3A_128, %select_n3A_155, %select_n3A_182, %select_n3A_209, %select_n3A_236, %select_n3A_263, %select_n3A_290, %select_n3A_317, %select_n3A_344, %select_n3A_371, %select_n3A_398, %select_n3A_425, %select_n3A_452, %select_n3A_479 in 0 : vector<1x256xi32>, vector<1x256xi32>, vector<1x256xi32>, vector<1x256xi32>, vector<1x256xi32>, vector<1x256xi32>, vector<1x256xi32>, vector<1x256xi32>, vector<1x256xi32>, vector<1x256xi32>, vector<1x256xi32>, vector<1x256xi32>, vector<1x256xi32>, vector<1x256xi32>, vector<1x256xi32>, vector<1x256xi32> -> vector<16x256xi32>
      scf.yield %concatenate3A_480, %concatenate3A_481 : vector<16x256xf32>, vector<16x256xi32>
    }
    %while3A_25 = arith.constant 1 : i32
    %while3A_26:2 = scf.for %while3A_29 = %while3A_22 to %while3A_18 step %while3A_25 iter_args(%while3A_30 = %while3A_24#0, %while3A_31 = %while3A_24#1) -> (vector<16x256xf32>, vector<16x256xi32>)  : i32 {
      %get3A_32 = arith.index_cast %arg0 : i32 to index
      %get3A_33 = memref.load %arg1[%get3A_32] : memref<40xi32, #tpu.memory_space<smem>>
      %add3A = arith.addi %get3A_33, %while3A_29 : i32
      %mul3A_34 = arith.constant 256 : i32
      %mul3A_35 = arith.muli %add3A, %mul3A_34 : i32
      %get3A_36 = arith.index_cast %mul3A_35 : i32 to index
      %get3A_37 = arith.constant 0 : index
      %get3A_38 = vector.load %arg3[%get3A_36, %get3A_37] : memref<10240x8xf32, #tpu.memory_space<vmem>>, vector<256x8xf32>
      %get3A_39 = arith.index_cast %mul3A_35 : i32 to index
      %get3A_40 = arith.constant 0 : index
      %get3A_41 = vector.load %arg5[%get3A_39, %get3A_40] : memref<10240x1xi32, #tpu.memory_space<vmem>>, vector<256x1xi32>
      %dot_general3A = arith.constant dense<0.000000e+00> : vector<256x256xf32>
      %dot_general3A_42 = tpu.matmul %get3A_38, %get3A_2, %dot_general3A {dimension_numbers = #tpu.dot_dimension_numbers<[1], [0], [0], [1], [0, 0, 1, 1], [], []>, transpose_lhs_hint = false} : vector<256x8xf32>, vector<8x256xf32>, vector<256x256xf32> -> vector<256x256xf32>
      %mul3A_43 = arith.mulf %get3A_38, %get3A_38 : vector<256x8xf32>
      %reduce_sum3A_44 = arith.constant dense<0.000000e+00> : vector<256xf32>
      %reduce_sum3A_45 = vector.multi_reduction <add>, %mul3A_43, %reduce_sum3A_44 [1] : vector<256x8xf32> to vector<256xf32>
      %broadcast_in_dim3A_46 = vector.shape_cast %reduce_sum3A_45 : vector<256xf32> to vector<256x1xf32>
      %add3A_47 = vector.broadcast %broadcast_in_dim3A : vector<1x256xf32> to vector<256x256xf32>
      %add3A_48 = vector.broadcast %broadcast_in_dim3A_46 : vector<256x1xf32> to vector<256x256xf32>
      %add3A_49 = arith.addf %add3A_47, %add3A_48 : vector<256x256xf32>
      %mul3A_50 = arith.constant 2.000000e+00 : f32
      %mul3A_51 = vector.broadcast %mul3A_50 : f32 to vector<256x256xf32>
      %mul3A_52 = arith.mulf %mul3A_51, %dot_general3A_42 : vector<256x256xf32>
      %sub3A = arith.subf %add3A_49, %mul3A_52 : vector<256x256xf32>
      %eq3A = vector.broadcast %get3A_41 : vector<256x1xi32> to vector<256x256xi32>
      %eq3A_53 = vector.broadcast %get3A_7 : vector<1x256xi32> to vector<256x256xi32>
      %eq3A_54 = arith.cmpi eq, %eq3A, %eq3A_53 : vector<256x256xi32>
      %jit3A = arith.constant 0x7F800000 : f32
      %broadcast_in_dim3A_55 = vector.broadcast %jit3A : f32 to vector<256x256xf32>
      %select_n3A = arith.select %eq3A_54, %sub3A, %broadcast_in_dim3A_55 : vector<256x256xi1>, vector<256x256xf32>
      %concatenate3A = tpu.concatenate %while3A_30, %select_n3A in 0 : vector<16x256xf32>, vector<256x256xf32> -> vector<272x256xf32>
      %reduce_min3A = arith.constant dense<0x7F800000> : vector<256xf32>
      %reduce_min3A_56 = vector.multi_reduction <minimumf>, %concatenate3A, %reduce_min3A [0] : vector<272x256xf32> to vector<256xf32>
      %broadcast_in_dim3A_57 = vector.shape_cast %reduce_min3A_56 : vector<256xf32> to vector<1x256xf32>
      %argmin3A = tpu.reduce_index %concatenate3A {axis = 0 : i32, kind = #tpu.reduction_kind<arg_min>} : vector<272x256xf32> -> vector<256xi32>
      %broadcast_in_dim3A_58 = vector.shape_cast %argmin3A : vector<256xi32> to vector<1x256xi32>
      %eq3A_59 = vector.broadcast %broadcast_in_dim3A_58 : vector<1x256xi32> to vector<16x256xi32>
      %eq3A_60 = arith.cmpi eq, %iota3A, %eq3A_59 : vector<16x256xi32>
      %jit3A_61 = arith.constant 1073741824 : i32
      %broadcast_in_dim3A_62 = vector.broadcast %jit3A_61 : i32 to vector<16x256xi32>
      %select_n3A_63 = arith.select %eq3A_60, %while3A_31, %broadcast_in_dim3A_62 : vector<16x256xi1>, vector<16x256xi32>
      %reduce_min3A_64 = arith.constant dense<2147483647> : vector<256xi32>
      %reduce_min3A_65 = vector.multi_reduction <minsi>, %select_n3A_63, %reduce_min3A_64 [0] : vector<16x256xi32> to vector<256xi32>
      %broadcast_in_dim3A_66 = vector.shape_cast %reduce_min3A_65 : vector<256xi32> to vector<1x256xi32>
      %lt3A = arith.constant 16 : i32
      %lt3A_67 = vector.broadcast %lt3A : i32 to vector<1x256xi32>
      %lt3A_68 = arith.cmpi slt, %broadcast_in_dim3A_58, %lt3A_67 : vector<1x256xi32>
      %add3A_69 = vector.broadcast %mul3A_35 : i32 to vector<1x256xi32>
      %add3A_70 = arith.addi %add3A_69, %broadcast_in_dim3A_58 : vector<1x256xi32>
      %sub3A_71 = arith.constant 16 : i32
      %sub3A_72 = vector.broadcast %sub3A_71 : i32 to vector<1x256xi32>
      %sub3A_73 = arith.subi %add3A_70, %sub3A_72 : vector<1x256xi32>
      %select_n3A_74 = arith.select %lt3A_68, %broadcast_in_dim3A_66, %sub3A_73 : vector<1x256xi1>, vector<1x256xi32>
      %eq3A_75 = vector.broadcast %broadcast_in_dim3A_58 : vector<1x256xi32> to vector<272x256xi32>
      %eq3A_76 = arith.cmpi eq, %iota3A_10, %eq3A_75 : vector<272x256xi32>
      %jit3A_77 = arith.constant 0x7F800000 : f32
      %broadcast_in_dim3A_78 = vector.broadcast %jit3A_77 : f32 to vector<272x256xf32>
      %select_n3A_79 = arith.select %eq3A_76, %broadcast_in_dim3A_78, %concatenate3A : vector<272x256xi1>, vector<272x256xf32>
      %reduce_min3A_80 = arith.constant dense<0x7F800000> : vector<256xf32>
      %reduce_min3A_81 = vector.multi_reduction <minimumf>, %select_n3A_79, %reduce_min3A_80 [0] : vector<272x256xf32> to vector<256xf32>
      %broadcast_in_dim3A_82 = vector.shape_cast %reduce_min3A_81 : vector<256xf32> to vector<1x256xf32>
      %argmin3A_83 = tpu.reduce_index %select_n3A_79 {axis = 0 : i32, kind = #tpu.reduction_kind<arg_min>} : vector<272x256xf32> -> vector<256xi32>
      %broadcast_in_dim3A_84 = vector.shape_cast %argmin3A_83 : vector<256xi32> to vector<1x256xi32>
      %eq3A_85 = vector.broadcast %broadcast_in_dim3A_84 : vector<1x256xi32> to vector<16x256xi32>
      %eq3A_86 = arith.cmpi eq, %iota3A, %eq3A_85 : vector<16x256xi32>
      %jit3A_87 = arith.constant 1073741824 : i32
      %broadcast_in_dim3A_88 = vector.broadcast %jit3A_87 : i32 to vector<16x256xi32>
      %select_n3A_89 = arith.select %eq3A_86, %while3A_31, %broadcast_in_dim3A_88 : vector<16x256xi1>, vector<16x256xi32>
      %reduce_min3A_90 = arith.constant dense<2147483647> : vector<256xi32>
      %reduce_min3A_91 = vector.multi_reduction <minsi>, %select_n3A_89, %reduce_min3A_90 [0] : vector<16x256xi32> to vector<256xi32>
      %broadcast_in_dim3A_92 = vector.shape_cast %reduce_min3A_91 : vector<256xi32> to vector<1x256xi32>
      %lt3A_93 = arith.constant 16 : i32
      %lt3A_94 = vector.broadcast %lt3A_93 : i32 to vector<1x256xi32>
      %lt3A_95 = arith.cmpi slt, %broadcast_in_dim3A_84, %lt3A_94 : vector<1x256xi32>
      %add3A_96 = vector.broadcast %mul3A_35 : i32 to vector<1x256xi32>
      %add3A_97 = arith.addi %add3A_96, %broadcast_in_dim3A_84 : vector<1x256xi32>
      %sub3A_98 = arith.constant 16 : i32
      %sub3A_99 = vector.broadcast %sub3A_98 : i32 to vector<1x256xi32>
      %sub3A_100 = arith.subi %add3A_97, %sub3A_99 : vector<1x256xi32>
      %select_n3A_101 = arith.select %lt3A_95, %broadcast_in_dim3A_92, %sub3A_100 : vector<1x256xi1>, vector<1x256xi32>
      %eq3A_102 = vector.broadcast %broadcast_in_dim3A_84 : vector<1x256xi32> to vector<272x256xi32>
      %eq3A_103 = arith.cmpi eq, %iota3A_10, %eq3A_102 : vector<272x256xi32>
      %jit3A_104 = arith.constant 0x7F800000 : f32
      %broadcast_in_dim3A_105 = vector.broadcast %jit3A_104 : f32 to vector<272x256xf32>
      %select_n3A_106 = arith.select %eq3A_103, %broadcast_in_dim3A_105, %select_n3A_79 : vector<272x256xi1>, vector<272x256xf32>
      %reduce_min3A_107 = arith.constant dense<0x7F800000> : vector<256xf32>
      %reduce_min3A_108 = vector.multi_reduction <minimumf>, %select_n3A_106, %reduce_min3A_107 [0] : vector<272x256xf32> to vector<256xf32>
      %broadcast_in_dim3A_109 = vector.shape_cast %reduce_min3A_108 : vector<256xf32> to vector<1x256xf32>
      %argmin3A_110 = tpu.reduce_index %select_n3A_106 {axis = 0 : i32, kind = #tpu.reduction_kind<arg_min>} : vector<272x256xf32> -> vector<256xi32>
      %broadcast_in_dim3A_111 = vector.shape_cast %argmin3A_110 : vector<256xi32> to vector<1x256xi32>
      %eq3A_112 = vector.broadcast %broadcast_in_dim3A_111 : vector<1x256xi32> to vector<16x256xi32>
      %eq3A_113 = arith.cmpi eq, %iota3A, %eq3A_112 : vector<16x256xi32>
      %jit3A_114 = arith.constant 1073741824 : i32
      %broadcast_in_dim3A_115 = vector.broadcast %jit3A_114 : i32 to vector<16x256xi32>
      %select_n3A_116 = arith.select %eq3A_113, %while3A_31, %broadcast_in_dim3A_115 : vector<16x256xi1>, vector<16x256xi32>
      %reduce_min3A_117 = arith.constant dense<2147483647> : vector<256xi32>
      %reduce_min3A_118 = vector.multi_reduction <minsi>, %select_n3A_116, %reduce_min3A_117 [0] : vector<16x256xi32> to vector<256xi32>
      %broadcast_in_dim3A_119 = vector.shape_cast %reduce_min3A_118 : vector<256xi32> to vector<1x256xi32>
      %lt3A_120 = arith.constant 16 : i32
      %lt3A_121 = vector.broadcast %lt3A_120 : i32 to vector<1x256xi32>
      %lt3A_122 = arith.cmpi slt, %broadcast_in_dim3A_111, %lt3A_121 : vector<1x256xi32>
      %add3A_123 = vector.broadcast %mul3A_35 : i32 to vector<1x256xi32>
      %add3A_124 = arith.addi %add3A_123, %broadcast_in_dim3A_111 : vector<1x256xi32>
      %sub3A_125 = arith.constant 16 : i32
      %sub3A_126 = vector.broadcast %sub3A_125 : i32 to vector<1x256xi32>
      %sub3A_127 = arith.subi %add3A_124, %sub3A_126 : vector<1x256xi32>
      %select_n3A_128 = arith.select %lt3A_122, %broadcast_in_dim3A_119, %sub3A_127 : vector<1x256xi1>, vector<1x256xi32>
      %eq3A_129 = vector.broadcast %broadcast_in_dim3A_111 : vector<1x256xi32> to vector<272x256xi32>
      %eq3A_130 = arith.cmpi eq, %iota3A_10, %eq3A_129 : vector<272x256xi32>
      %jit3A_131 = arith.constant 0x7F800000 : f32
      %broadcast_in_dim3A_132 = vector.broadcast %jit3A_131 : f32 to vector<272x256xf32>
      %select_n3A_133 = arith.select %eq3A_130, %broadcast_in_dim3A_132, %select_n3A_106 : vector<272x256xi1>, vector<272x256xf32>
      %reduce_min3A_134 = arith.constant dense<0x7F800000> : vector<256xf32>
      %reduce_min3A_135 = vector.multi_reduction <minimumf>, %select_n3A_133, %reduce_min3A_134 [0] : vector<272x256xf32> to vector<256xf32>
      %broadcast_in_dim3A_136 = vector.shape_cast %reduce_min3A_135 : vector<256xf32> to vector<1x256xf32>
      %argmin3A_137 = tpu.reduce_index %select_n3A_133 {axis = 0 : i32, kind = #tpu.reduction_kind<arg_min>} : vector<272x256xf32> -> vector<256xi32>
      %broadcast_in_dim3A_138 = vector.shape_cast %argmin3A_137 : vector<256xi32> to vector<1x256xi32>
      %eq3A_139 = vector.broadcast %broadcast_in_dim3A_138 : vector<1x256xi32> to vector<16x256xi32>
      %eq3A_140 = arith.cmpi eq, %iota3A, %eq3A_139 : vector<16x256xi32>
      %jit3A_141 = arith.constant 1073741824 : i32
      %broadcast_in_dim3A_142 = vector.broadcast %jit3A_141 : i32 to vector<16x256xi32>
      %select_n3A_143 = arith.select %eq3A_140, %while3A_31, %broadcast_in_dim3A_142 : vector<16x256xi1>, vector<16x256xi32>
      %reduce_min3A_144 = arith.constant dense<2147483647> : vector<256xi32>
      %reduce_min3A_145 = vector.multi_reduction <minsi>, %select_n3A_143, %reduce_min3A_144 [0] : vector<16x256xi32> to vector<256xi32>
      %broadcast_in_dim3A_146 = vector.shape_cast %reduce_min3A_145 : vector<256xi32> to vector<1x256xi32>
      %lt3A_147 = arith.constant 16 : i32
      %lt3A_148 = vector.broadcast %lt3A_147 : i32 to vector<1x256xi32>
      %lt3A_149 = arith.cmpi slt, %broadcast_in_dim3A_138, %lt3A_148 : vector<1x256xi32>
      %add3A_150 = vector.broadcast %mul3A_35 : i32 to vector<1x256xi32>
      %add3A_151 = arith.addi %add3A_150, %broadcast_in_dim3A_138 : vector<1x256xi32>
      %sub3A_152 = arith.constant 16 : i32
      %sub3A_153 = vector.broadcast %sub3A_152 : i32 to vector<1x256xi32>
      %sub3A_154 = arith.subi %add3A_151, %sub3A_153 : vector<1x256xi32>
      %select_n3A_155 = arith.select %lt3A_149, %broadcast_in_dim3A_146, %sub3A_154 : vector<1x256xi1>, vector<1x256xi32>
      %eq3A_156 = vector.broadcast %broadcast_in_dim3A_138 : vector<1x256xi32> to vector<272x256xi32>
      %eq3A_157 = arith.cmpi eq, %iota3A_10, %eq3A_156 : vector<272x256xi32>
      %jit3A_158 = arith.constant 0x7F800000 : f32
      %broadcast_in_dim3A_159 = vector.broadcast %jit3A_158 : f32 to vector<272x256xf32>
      %select_n3A_160 = arith.select %eq3A_157, %broadcast_in_dim3A_159, %select_n3A_133 : vector<272x256xi1>, vector<272x256xf32>
      %reduce_min3A_161 = arith.constant dense<0x7F800000> : vector<256xf32>
      %reduce_min3A_162 = vector.multi_reduction <minimumf>, %select_n3A_160, %reduce_min3A_161 [0] : vector<272x256xf32> to vector<256xf32>
      %broadcast_in_dim3A_163 = vector.shape_cast %reduce_min3A_162 : vector<256xf32> to vector<1x256xf32>
      %argmin3A_164 = tpu.reduce_index %select_n3A_160 {axis = 0 : i32, kind = #tpu.reduction_kind<arg_min>} : vector<272x256xf32> -> vector<256xi32>
      %broadcast_in_dim3A_165 = vector.shape_cast %argmin3A_164 : vector<256xi32> to vector<1x256xi32>
      %eq3A_166 = vector.broadcast %broadcast_in_dim3A_165 : vector<1x256xi32> to vector<16x256xi32>
      %eq3A_167 = arith.cmpi eq, %iota3A, %eq3A_166 : vector<16x256xi32>
      %jit3A_168 = arith.constant 1073741824 : i32
      %broadcast_in_dim3A_169 = vector.broadcast %jit3A_168 : i32 to vector<16x256xi32>
      %select_n3A_170 = arith.select %eq3A_167, %while3A_31, %broadcast_in_dim3A_169 : vector<16x256xi1>, vector<16x256xi32>
      %reduce_min3A_171 = arith.constant dense<2147483647> : vector<256xi32>
      %reduce_min3A_172 = vector.multi_reduction <minsi>, %select_n3A_170, %reduce_min3A_171 [0] : vector<16x256xi32> to vector<256xi32>
      %broadcast_in_dim3A_173 = vector.shape_cast %reduce_min3A_172 : vector<256xi32> to vector<1x256xi32>
      %lt3A_174 = arith.constant 16 : i32
      %lt3A_175 = vector.broadcast %lt3A_174 : i32 to vector<1x256xi32>
      %lt3A_176 = arith.cmpi slt, %broadcast_in_dim3A_165, %lt3A_175 : vector<1x256xi32>
      %add3A_177 = vector.broadcast %mul3A_35 : i32 to vector<1x256xi32>
      %add3A_178 = arith.addi %add3A_177, %broadcast_in_dim3A_165 : vector<1x256xi32>
      %sub3A_179 = arith.constant 16 : i32
      %sub3A_180 = vector.broadcast %sub3A_179 : i32 to vector<1x256xi32>
      %sub3A_181 = arith.subi %add3A_178, %sub3A_180 : vector<1x256xi32>
      %select_n3A_182 = arith.select %lt3A_176, %broadcast_in_dim3A_173, %sub3A_181 : vector<1x256xi1>, vector<1x256xi32>
      %eq3A_183 = vector.broadcast %broadcast_in_dim3A_165 : vector<1x256xi32> to vector<272x256xi32>
      %eq3A_184 = arith.cmpi eq, %iota3A_10, %eq3A_183 : vector<272x256xi32>
      %jit3A_185 = arith.constant 0x7F800000 : f32
      %broadcast_in_dim3A_186 = vector.broadcast %jit3A_185 : f32 to vector<272x256xf32>
      %select_n3A_187 = arith.select %eq3A_184, %broadcast_in_dim3A_186, %select_n3A_160 : vector<272x256xi1>, vector<272x256xf32>
      %reduce_min3A_188 = arith.constant dense<0x7F800000> : vector<256xf32>
      %reduce_min3A_189 = vector.multi_reduction <minimumf>, %select_n3A_187, %reduce_min3A_188 [0] : vector<272x256xf32> to vector<256xf32>
      %broadcast_in_dim3A_190 = vector.shape_cast %reduce_min3A_189 : vector<256xf32> to vector<1x256xf32>
      %argmin3A_191 = tpu.reduce_index %select_n3A_187 {axis = 0 : i32, kind = #tpu.reduction_kind<arg_min>} : vector<272x256xf32> -> vector<256xi32>
      %broadcast_in_dim3A_192 = vector.shape_cast %argmin3A_191 : vector<256xi32> to vector<1x256xi32>
      %eq3A_193 = vector.broadcast %broadcast_in_dim3A_192 : vector<1x256xi32> to vector<16x256xi32>
      %eq3A_194 = arith.cmpi eq, %iota3A, %eq3A_193 : vector<16x256xi32>
      %jit3A_195 = arith.constant 1073741824 : i32
      %broadcast_in_dim3A_196 = vector.broadcast %jit3A_195 : i32 to vector<16x256xi32>
      %select_n3A_197 = arith.select %eq3A_194, %while3A_31, %broadcast_in_dim3A_196 : vector<16x256xi1>, vector<16x256xi32>
      %reduce_min3A_198 = arith.constant dense<2147483647> : vector<256xi32>
      %reduce_min3A_199 = vector.multi_reduction <minsi>, %select_n3A_197, %reduce_min3A_198 [0] : vector<16x256xi32> to vector<256xi32>
      %broadcast_in_dim3A_200 = vector.shape_cast %reduce_min3A_199 : vector<256xi32> to vector<1x256xi32>
      %lt3A_201 = arith.constant 16 : i32
      %lt3A_202 = vector.broadcast %lt3A_201 : i32 to vector<1x256xi32>
      %lt3A_203 = arith.cmpi slt, %broadcast_in_dim3A_192, %lt3A_202 : vector<1x256xi32>
      %add3A_204 = vector.broadcast %mul3A_35 : i32 to vector<1x256xi32>
      %add3A_205 = arith.addi %add3A_204, %broadcast_in_dim3A_192 : vector<1x256xi32>
      %sub3A_206 = arith.constant 16 : i32
      %sub3A_207 = vector.broadcast %sub3A_206 : i32 to vector<1x256xi32>
      %sub3A_208 = arith.subi %add3A_205, %sub3A_207 : vector<1x256xi32>
      %select_n3A_209 = arith.select %lt3A_203, %broadcast_in_dim3A_200, %sub3A_208 : vector<1x256xi1>, vector<1x256xi32>
      %eq3A_210 = vector.broadcast %broadcast_in_dim3A_192 : vector<1x256xi32> to vector<272x256xi32>
      %eq3A_211 = arith.cmpi eq, %iota3A_10, %eq3A_210 : vector<272x256xi32>
      %jit3A_212 = arith.constant 0x7F800000 : f32
      %broadcast_in_dim3A_213 = vector.broadcast %jit3A_212 : f32 to vector<272x256xf32>
      %select_n3A_214 = arith.select %eq3A_211, %broadcast_in_dim3A_213, %select_n3A_187 : vector<272x256xi1>, vector<272x256xf32>
      %reduce_min3A_215 = arith.constant dense<0x7F800000> : vector<256xf32>
      %reduce_min3A_216 = vector.multi_reduction <minimumf>, %select_n3A_214, %reduce_min3A_215 [0] : vector<272x256xf32> to vector<256xf32>
      %broadcast_in_dim3A_217 = vector.shape_cast %reduce_min3A_216 : vector<256xf32> to vector<1x256xf32>
      %argmin3A_218 = tpu.reduce_index %select_n3A_214 {axis = 0 : i32, kind = #tpu.reduction_kind<arg_min>} : vector<272x256xf32> -> vector<256xi32>
      %broadcast_in_dim3A_219 = vector.shape_cast %argmin3A_218 : vector<256xi32> to vector<1x256xi32>
      %eq3A_220 = vector.broadcast %broadcast_in_dim3A_219 : vector<1x256xi32> to vector<16x256xi32>
      %eq3A_221 = arith.cmpi eq, %iota3A, %eq3A_220 : vector<16x256xi32>
      %jit3A_222 = arith.constant 1073741824 : i32
      %broadcast_in_dim3A_223 = vector.broadcast %jit3A_222 : i32 to vector<16x256xi32>
      %select_n3A_224 = arith.select %eq3A_221, %while3A_31, %broadcast_in_dim3A_223 : vector<16x256xi1>, vector<16x256xi32>
      %reduce_min3A_225 = arith.constant dense<2147483647> : vector<256xi32>
      %reduce_min3A_226 = vector.multi_reduction <minsi>, %select_n3A_224, %reduce_min3A_225 [0] : vector<16x256xi32> to vector<256xi32>
      %broadcast_in_dim3A_227 = vector.shape_cast %reduce_min3A_226 : vector<256xi32> to vector<1x256xi32>
      %lt3A_228 = arith.constant 16 : i32
      %lt3A_229 = vector.broadcast %lt3A_228 : i32 to vector<1x256xi32>
      %lt3A_230 = arith.cmpi slt, %broadcast_in_dim3A_219, %lt3A_229 : vector<1x256xi32>
      %add3A_231 = vector.broadcast %mul3A_35 : i32 to vector<1x256xi32>
      %add3A_232 = arith.addi %add3A_231, %broadcast_in_dim3A_219 : vector<1x256xi32>
      %sub3A_233 = arith.constant 16 : i32
      %sub3A_234 = vector.broadcast %sub3A_233 : i32 to vector<1x256xi32>
      %sub3A_235 = arith.subi %add3A_232, %sub3A_234 : vector<1x256xi32>
      %select_n3A_236 = arith.select %lt3A_230, %broadcast_in_dim3A_227, %sub3A_235 : vector<1x256xi1>, vector<1x256xi32>
      %eq3A_237 = vector.broadcast %broadcast_in_dim3A_219 : vector<1x256xi32> to vector<272x256xi32>
      %eq3A_238 = arith.cmpi eq, %iota3A_10, %eq3A_237 : vector<272x256xi32>
      %jit3A_239 = arith.constant 0x7F800000 : f32
      %broadcast_in_dim3A_240 = vector.broadcast %jit3A_239 : f32 to vector<272x256xf32>
      %select_n3A_241 = arith.select %eq3A_238, %broadcast_in_dim3A_240, %select_n3A_214 : vector<272x256xi1>, vector<272x256xf32>
      %reduce_min3A_242 = arith.constant dense<0x7F800000> : vector<256xf32>
      %reduce_min3A_243 = vector.multi_reduction <minimumf>, %select_n3A_241, %reduce_min3A_242 [0] : vector<272x256xf32> to vector<256xf32>
      %broadcast_in_dim3A_244 = vector.shape_cast %reduce_min3A_243 : vector<256xf32> to vector<1x256xf32>
      %argmin3A_245 = tpu.reduce_index %select_n3A_241 {axis = 0 : i32, kind = #tpu.reduction_kind<arg_min>} : vector<272x256xf32> -> vector<256xi32>
      %broadcast_in_dim3A_246 = vector.shape_cast %argmin3A_245 : vector<256xi32> to vector<1x256xi32>
      %eq3A_247 = vector.broadcast %broadcast_in_dim3A_246 : vector<1x256xi32> to vector<16x256xi32>
      %eq3A_248 = arith.cmpi eq, %iota3A, %eq3A_247 : vector<16x256xi32>
      %jit3A_249 = arith.constant 1073741824 : i32
      %broadcast_in_dim3A_250 = vector.broadcast %jit3A_249 : i32 to vector<16x256xi32>
      %select_n3A_251 = arith.select %eq3A_248, %while3A_31, %broadcast_in_dim3A_250 : vector<16x256xi1>, vector<16x256xi32>
      %reduce_min3A_252 = arith.constant dense<2147483647> : vector<256xi32>
      %reduce_min3A_253 = vector.multi_reduction <minsi>, %select_n3A_251, %reduce_min3A_252 [0] : vector<16x256xi32> to vector<256xi32>
      %broadcast_in_dim3A_254 = vector.shape_cast %reduce_min3A_253 : vector<256xi32> to vector<1x256xi32>
      %lt3A_255 = arith.constant 16 : i32
      %lt3A_256 = vector.broadcast %lt3A_255 : i32 to vector<1x256xi32>
      %lt3A_257 = arith.cmpi slt, %broadcast_in_dim3A_246, %lt3A_256 : vector<1x256xi32>
      %add3A_258 = vector.broadcast %mul3A_35 : i32 to vector<1x256xi32>
      %add3A_259 = arith.addi %add3A_258, %broadcast_in_dim3A_246 : vector<1x256xi32>
      %sub3A_260 = arith.constant 16 : i32
      %sub3A_261 = vector.broadcast %sub3A_260 : i32 to vector<1x256xi32>
      %sub3A_262 = arith.subi %add3A_259, %sub3A_261 : vector<1x256xi32>
      %select_n3A_263 = arith.select %lt3A_257, %broadcast_in_dim3A_254, %sub3A_262 : vector<1x256xi1>, vector<1x256xi32>
      %eq3A_264 = vector.broadcast %broadcast_in_dim3A_246 : vector<1x256xi32> to vector<272x256xi32>
      %eq3A_265 = arith.cmpi eq, %iota3A_10, %eq3A_264 : vector<272x256xi32>
      %jit3A_266 = arith.constant 0x7F800000 : f32
      %broadcast_in_dim3A_267 = vector.broadcast %jit3A_266 : f32 to vector<272x256xf32>
      %select_n3A_268 = arith.select %eq3A_265, %broadcast_in_dim3A_267, %select_n3A_241 : vector<272x256xi1>, vector<272x256xf32>
      %reduce_min3A_269 = arith.constant dense<0x7F800000> : vector<256xf32>
      %reduce_min3A_270 = vector.multi_reduction <minimumf>, %select_n3A_268, %reduce_min3A_269 [0] : vector<272x256xf32> to vector<256xf32>
      %broadcast_in_dim3A_271 = vector.shape_cast %reduce_min3A_270 : vector<256xf32> to vector<1x256xf32>
      %argmin3A_272 = tpu.reduce_index %select_n3A_268 {axis = 0 : i32, kind = #tpu.reduction_kind<arg_min>} : vector<272x256xf32> -> vector<256xi32>
      %broadcast_in_dim3A_273 = vector.shape_cast %argmin3A_272 : vector<256xi32> to vector<1x256xi32>
      %eq3A_274 = vector.broadcast %broadcast_in_dim3A_273 : vector<1x256xi32> to vector<16x256xi32>
      %eq3A_275 = arith.cmpi eq, %iota3A, %eq3A_274 : vector<16x256xi32>
      %jit3A_276 = arith.constant 1073741824 : i32
      %broadcast_in_dim3A_277 = vector.broadcast %jit3A_276 : i32 to vector<16x256xi32>
      %select_n3A_278 = arith.select %eq3A_275, %while3A_31, %broadcast_in_dim3A_277 : vector<16x256xi1>, vector<16x256xi32>
      %reduce_min3A_279 = arith.constant dense<2147483647> : vector<256xi32>
      %reduce_min3A_280 = vector.multi_reduction <minsi>, %select_n3A_278, %reduce_min3A_279 [0] : vector<16x256xi32> to vector<256xi32>
      %broadcast_in_dim3A_281 = vector.shape_cast %reduce_min3A_280 : vector<256xi32> to vector<1x256xi32>
      %lt3A_282 = arith.constant 16 : i32
      %lt3A_283 = vector.broadcast %lt3A_282 : i32 to vector<1x256xi32>
      %lt3A_284 = arith.cmpi slt, %broadcast_in_dim3A_273, %lt3A_283 : vector<1x256xi32>
      %add3A_285 = vector.broadcast %mul3A_35 : i32 to vector<1x256xi32>
      %add3A_286 = arith.addi %add3A_285, %broadcast_in_dim3A_273 : vector<1x256xi32>
      %sub3A_287 = arith.constant 16 : i32
      %sub3A_288 = vector.broadcast %sub3A_287 : i32 to vector<1x256xi32>
      %sub3A_289 = arith.subi %add3A_286, %sub3A_288 : vector<1x256xi32>
      %select_n3A_290 = arith.select %lt3A_284, %broadcast_in_dim3A_281, %sub3A_289 : vector<1x256xi1>, vector<1x256xi32>
      %eq3A_291 = vector.broadcast %broadcast_in_dim3A_273 : vector<1x256xi32> to vector<272x256xi32>
      %eq3A_292 = arith.cmpi eq, %iota3A_10, %eq3A_291 : vector<272x256xi32>
      %jit3A_293 = arith.constant 0x7F800000 : f32
      %broadcast_in_dim3A_294 = vector.broadcast %jit3A_293 : f32 to vector<272x256xf32>
      %select_n3A_295 = arith.select %eq3A_292, %broadcast_in_dim3A_294, %select_n3A_268 : vector<272x256xi1>, vector<272x256xf32>
      %reduce_min3A_296 = arith.constant dense<0x7F800000> : vector<256xf32>
      %reduce_min3A_297 = vector.multi_reduction <minimumf>, %select_n3A_295, %reduce_min3A_296 [0] : vector<272x256xf32> to vector<256xf32>
      %broadcast_in_dim3A_298 = vector.shape_cast %reduce_min3A_297 : vector<256xf32> to vector<1x256xf32>
      %argmin3A_299 = tpu.reduce_index %select_n3A_295 {axis = 0 : i32, kind = #tpu.reduction_kind<arg_min>} : vector<272x256xf32> -> vector<256xi32>
      %broadcast_in_dim3A_300 = vector.shape_cast %argmin3A_299 : vector<256xi32> to vector<1x256xi32>
      %eq3A_301 = vector.broadcast %broadcast_in_dim3A_300 : vector<1x256xi32> to vector<16x256xi32>
      %eq3A_302 = arith.cmpi eq, %iota3A, %eq3A_301 : vector<16x256xi32>
      %jit3A_303 = arith.constant 1073741824 : i32
      %broadcast_in_dim3A_304 = vector.broadcast %jit3A_303 : i32 to vector<16x256xi32>
      %select_n3A_305 = arith.select %eq3A_302, %while3A_31, %broadcast_in_dim3A_304 : vector<16x256xi1>, vector<16x256xi32>
      %reduce_min3A_306 = arith.constant dense<2147483647> : vector<256xi32>
      %reduce_min3A_307 = vector.multi_reduction <minsi>, %select_n3A_305, %reduce_min3A_306 [0] : vector<16x256xi32> to vector<256xi32>
      %broadcast_in_dim3A_308 = vector.shape_cast %reduce_min3A_307 : vector<256xi32> to vector<1x256xi32>
      %lt3A_309 = arith.constant 16 : i32
      %lt3A_310 = vector.broadcast %lt3A_309 : i32 to vector<1x256xi32>
      %lt3A_311 = arith.cmpi slt, %broadcast_in_dim3A_300, %lt3A_310 : vector<1x256xi32>
      %add3A_312 = vector.broadcast %mul3A_35 : i32 to vector<1x256xi32>
      %add3A_313 = arith.addi %add3A_312, %broadcast_in_dim3A_300 : vector<1x256xi32>
      %sub3A_314 = arith.constant 16 : i32
      %sub3A_315 = vector.broadcast %sub3A_314 : i32 to vector<1x256xi32>
      %sub3A_316 = arith.subi %add3A_313, %sub3A_315 : vector<1x256xi32>
      %select_n3A_317 = arith.select %lt3A_311, %broadcast_in_dim3A_308, %sub3A_316 : vector<1x256xi1>, vector<1x256xi32>
      %eq3A_318 = vector.broadcast %broadcast_in_dim3A_300 : vector<1x256xi32> to vector<272x256xi32>
      %eq3A_319 = arith.cmpi eq, %iota3A_10, %eq3A_318 : vector<272x256xi32>
      %jit3A_320 = arith.constant 0x7F800000 : f32
      %broadcast_in_dim3A_321 = vector.broadcast %jit3A_320 : f32 to vector<272x256xf32>
      %select_n3A_322 = arith.select %eq3A_319, %broadcast_in_dim3A_321, %select_n3A_295 : vector<272x256xi1>, vector<272x256xf32>
      %reduce_min3A_323 = arith.constant dense<0x7F800000> : vector<256xf32>
      %reduce_min3A_324 = vector.multi_reduction <minimumf>, %select_n3A_322, %reduce_min3A_323 [0] : vector<272x256xf32> to vector<256xf32>
      %broadcast_in_dim3A_325 = vector.shape_cast %reduce_min3A_324 : vector<256xf32> to vector<1x256xf32>
      %argmin3A_326 = tpu.reduce_index %select_n3A_322 {axis = 0 : i32, kind = #tpu.reduction_kind<arg_min>} : vector<272x256xf32> -> vector<256xi32>
      %broadcast_in_dim3A_327 = vector.shape_cast %argmin3A_326 : vector<256xi32> to vector<1x256xi32>
      %eq3A_328 = vector.broadcast %broadcast_in_dim3A_327 : vector<1x256xi32> to vector<16x256xi32>
      %eq3A_329 = arith.cmpi eq, %iota3A, %eq3A_328 : vector<16x256xi32>
      %jit3A_330 = arith.constant 1073741824 : i32
      %broadcast_in_dim3A_331 = vector.broadcast %jit3A_330 : i32 to vector<16x256xi32>
      %select_n3A_332 = arith.select %eq3A_329, %while3A_31, %broadcast_in_dim3A_331 : vector<16x256xi1>, vector<16x256xi32>
      %reduce_min3A_333 = arith.constant dense<2147483647> : vector<256xi32>
      %reduce_min3A_334 = vector.multi_reduction <minsi>, %select_n3A_332, %reduce_min3A_333 [0] : vector<16x256xi32> to vector<256xi32>
      %broadcast_in_dim3A_335 = vector.shape_cast %reduce_min3A_334 : vector<256xi32> to vector<1x256xi32>
      %lt3A_336 = arith.constant 16 : i32
      %lt3A_337 = vector.broadcast %lt3A_336 : i32 to vector<1x256xi32>
      %lt3A_338 = arith.cmpi slt, %broadcast_in_dim3A_327, %lt3A_337 : vector<1x256xi32>
      %add3A_339 = vector.broadcast %mul3A_35 : i32 to vector<1x256xi32>
      %add3A_340 = arith.addi %add3A_339, %broadcast_in_dim3A_327 : vector<1x256xi32>
      %sub3A_341 = arith.constant 16 : i32
      %sub3A_342 = vector.broadcast %sub3A_341 : i32 to vector<1x256xi32>
      %sub3A_343 = arith.subi %add3A_340, %sub3A_342 : vector<1x256xi32>
      %select_n3A_344 = arith.select %lt3A_338, %broadcast_in_dim3A_335, %sub3A_343 : vector<1x256xi1>, vector<1x256xi32>
      %eq3A_345 = vector.broadcast %broadcast_in_dim3A_327 : vector<1x256xi32> to vector<272x256xi32>
      %eq3A_346 = arith.cmpi eq, %iota3A_10, %eq3A_345 : vector<272x256xi32>
      %jit3A_347 = arith.constant 0x7F800000 : f32
      %broadcast_in_dim3A_348 = vector.broadcast %jit3A_347 : f32 to vector<272x256xf32>
      %select_n3A_349 = arith.select %eq3A_346, %broadcast_in_dim3A_348, %select_n3A_322 : vector<272x256xi1>, vector<272x256xf32>
      %reduce_min3A_350 = arith.constant dense<0x7F800000> : vector<256xf32>
      %reduce_min3A_351 = vector.multi_reduction <minimumf>, %select_n3A_349, %reduce_min3A_350 [0] : vector<272x256xf32> to vector<256xf32>
      %broadcast_in_dim3A_352 = vector.shape_cast %reduce_min3A_351 : vector<256xf32> to vector<1x256xf32>
      %argmin3A_353 = tpu.reduce_index %select_n3A_349 {axis = 0 : i32, kind = #tpu.reduction_kind<arg_min>} : vector<272x256xf32> -> vector<256xi32>
      %broadcast_in_dim3A_354 = vector.shape_cast %argmin3A_353 : vector<256xi32> to vector<1x256xi32>
      %eq3A_355 = vector.broadcast %broadcast_in_dim3A_354 : vector<1x256xi32> to vector<16x256xi32>
      %eq3A_356 = arith.cmpi eq, %iota3A, %eq3A_355 : vector<16x256xi32>
      %jit3A_357 = arith.constant 1073741824 : i32
      %broadcast_in_dim3A_358 = vector.broadcast %jit3A_357 : i32 to vector<16x256xi32>
      %select_n3A_359 = arith.select %eq3A_356, %while3A_31, %broadcast_in_dim3A_358 : vector<16x256xi1>, vector<16x256xi32>
      %reduce_min3A_360 = arith.constant dense<2147483647> : vector<256xi32>
      %reduce_min3A_361 = vector.multi_reduction <minsi>, %select_n3A_359, %reduce_min3A_360 [0] : vector<16x256xi32> to vector<256xi32>
      %broadcast_in_dim3A_362 = vector.shape_cast %reduce_min3A_361 : vector<256xi32> to vector<1x256xi32>
      %lt3A_363 = arith.constant 16 : i32
      %lt3A_364 = vector.broadcast %lt3A_363 : i32 to vector<1x256xi32>
      %lt3A_365 = arith.cmpi slt, %broadcast_in_dim3A_354, %lt3A_364 : vector<1x256xi32>
      %add3A_366 = vector.broadcast %mul3A_35 : i32 to vector<1x256xi32>
      %add3A_367 = arith.addi %add3A_366, %broadcast_in_dim3A_354 : vector<1x256xi32>
      %sub3A_368 = arith.constant 16 : i32
      %sub3A_369 = vector.broadcast %sub3A_368 : i32 to vector<1x256xi32>
      %sub3A_370 = arith.subi %add3A_367, %sub3A_369 : vector<1x256xi32>
      %select_n3A_371 = arith.select %lt3A_365, %broadcast_in_dim3A_362, %sub3A_370 : vector<1x256xi1>, vector<1x256xi32>
      %eq3A_372 = vector.broadcast %broadcast_in_dim3A_354 : vector<1x256xi32> to vector<272x256xi32>
      %eq3A_373 = arith.cmpi eq, %iota3A_10, %eq3A_372 : vector<272x256xi32>
      %jit3A_374 = arith.constant 0x7F800000 : f32
      %broadcast_in_dim3A_375 = vector.broadcast %jit3A_374 : f32 to vector<272x256xf32>
      %select_n3A_376 = arith.select %eq3A_373, %broadcast_in_dim3A_375, %select_n3A_349 : vector<272x256xi1>, vector<272x256xf32>
      %reduce_min3A_377 = arith.constant dense<0x7F800000> : vector<256xf32>
      %reduce_min3A_378 = vector.multi_reduction <minimumf>, %select_n3A_376, %reduce_min3A_377 [0] : vector<272x256xf32> to vector<256xf32>
      %broadcast_in_dim3A_379 = vector.shape_cast %reduce_min3A_378 : vector<256xf32> to vector<1x256xf32>
      %argmin3A_380 = tpu.reduce_index %select_n3A_376 {axis = 0 : i32, kind = #tpu.reduction_kind<arg_min>} : vector<272x256xf32> -> vector<256xi32>
      %broadcast_in_dim3A_381 = vector.shape_cast %argmin3A_380 : vector<256xi32> to vector<1x256xi32>
      %eq3A_382 = vector.broadcast %broadcast_in_dim3A_381 : vector<1x256xi32> to vector<16x256xi32>
      %eq3A_383 = arith.cmpi eq, %iota3A, %eq3A_382 : vector<16x256xi32>
      %jit3A_384 = arith.constant 1073741824 : i32
      %broadcast_in_dim3A_385 = vector.broadcast %jit3A_384 : i32 to vector<16x256xi32>
      %select_n3A_386 = arith.select %eq3A_383, %while3A_31, %broadcast_in_dim3A_385 : vector<16x256xi1>, vector<16x256xi32>
      %reduce_min3A_387 = arith.constant dense<2147483647> : vector<256xi32>
      %reduce_min3A_388 = vector.multi_reduction <minsi>, %select_n3A_386, %reduce_min3A_387 [0] : vector<16x256xi32> to vector<256xi32>
      %broadcast_in_dim3A_389 = vector.shape_cast %reduce_min3A_388 : vector<256xi32> to vector<1x256xi32>
      %lt3A_390 = arith.constant 16 : i32
      %lt3A_391 = vector.broadcast %lt3A_390 : i32 to vector<1x256xi32>
      %lt3A_392 = arith.cmpi slt, %broadcast_in_dim3A_381, %lt3A_391 : vector<1x256xi32>
      %add3A_393 = vector.broadcast %mul3A_35 : i32 to vector<1x256xi32>
      %add3A_394 = arith.addi %add3A_393, %broadcast_in_dim3A_381 : vector<1x256xi32>
      %sub3A_395 = arith.constant 16 : i32
      %sub3A_396 = vector.broadcast %sub3A_395 : i32 to vector<1x256xi32>
      %sub3A_397 = arith.subi %add3A_394, %sub3A_396 : vector<1x256xi32>
      %select_n3A_398 = arith.select %lt3A_392, %broadcast_in_dim3A_389, %sub3A_397 : vector<1x256xi1>, vector<1x256xi32>
      %eq3A_399 = vector.broadcast %broadcast_in_dim3A_381 : vector<1x256xi32> to vector<272x256xi32>
      %eq3A_400 = arith.cmpi eq, %iota3A_10, %eq3A_399 : vector<272x256xi32>
      %jit3A_401 = arith.constant 0x7F800000 : f32
      %broadcast_in_dim3A_402 = vector.broadcast %jit3A_401 : f32 to vector<272x256xf32>
      %select_n3A_403 = arith.select %eq3A_400, %broadcast_in_dim3A_402, %select_n3A_376 : vector<272x256xi1>, vector<272x256xf32>
      %reduce_min3A_404 = arith.constant dense<0x7F800000> : vector<256xf32>
      %reduce_min3A_405 = vector.multi_reduction <minimumf>, %select_n3A_403, %reduce_min3A_404 [0] : vector<272x256xf32> to vector<256xf32>
      %broadcast_in_dim3A_406 = vector.shape_cast %reduce_min3A_405 : vector<256xf32> to vector<1x256xf32>
      %argmin3A_407 = tpu.reduce_index %select_n3A_403 {axis = 0 : i32, kind = #tpu.reduction_kind<arg_min>} : vector<272x256xf32> -> vector<256xi32>
      %broadcast_in_dim3A_408 = vector.shape_cast %argmin3A_407 : vector<256xi32> to vector<1x256xi32>
      %eq3A_409 = vector.broadcast %broadcast_in_dim3A_408 : vector<1x256xi32> to vector<16x256xi32>
      %eq3A_410 = arith.cmpi eq, %iota3A, %eq3A_409 : vector<16x256xi32>
      %jit3A_411 = arith.constant 1073741824 : i32
      %broadcast_in_dim3A_412 = vector.broadcast %jit3A_411 : i32 to vector<16x256xi32>
      %select_n3A_413 = arith.select %eq3A_410, %while3A_31, %broadcast_in_dim3A_412 : vector<16x256xi1>, vector<16x256xi32>
      %reduce_min3A_414 = arith.constant dense<2147483647> : vector<256xi32>
      %reduce_min3A_415 = vector.multi_reduction <minsi>, %select_n3A_413, %reduce_min3A_414 [0] : vector<16x256xi32> to vector<256xi32>
      %broadcast_in_dim3A_416 = vector.shape_cast %reduce_min3A_415 : vector<256xi32> to vector<1x256xi32>
      %lt3A_417 = arith.constant 16 : i32
      %lt3A_418 = vector.broadcast %lt3A_417 : i32 to vector<1x256xi32>
      %lt3A_419 = arith.cmpi slt, %broadcast_in_dim3A_408, %lt3A_418 : vector<1x256xi32>
      %add3A_420 = vector.broadcast %mul3A_35 : i32 to vector<1x256xi32>
      %add3A_421 = arith.addi %add3A_420, %broadcast_in_dim3A_408 : vector<1x256xi32>
      %sub3A_422 = arith.constant 16 : i32
      %sub3A_423 = vector.broadcast %sub3A_422 : i32 to vector<1x256xi32>
      %sub3A_424 = arith.subi %add3A_421, %sub3A_423 : vector<1x256xi32>
      %select_n3A_425 = arith.select %lt3A_419, %broadcast_in_dim3A_416, %sub3A_424 : vector<1x256xi1>, vector<1x256xi32>
      %eq3A_426 = vector.broadcast %broadcast_in_dim3A_408 : vector<1x256xi32> to vector<272x256xi32>
      %eq3A_427 = arith.cmpi eq, %iota3A_10, %eq3A_426 : vector<272x256xi32>
      %jit3A_428 = arith.constant 0x7F800000 : f32
      %broadcast_in_dim3A_429 = vector.broadcast %jit3A_428 : f32 to vector<272x256xf32>
      %select_n3A_430 = arith.select %eq3A_427, %broadcast_in_dim3A_429, %select_n3A_403 : vector<272x256xi1>, vector<272x256xf32>
      %reduce_min3A_431 = arith.constant dense<0x7F800000> : vector<256xf32>
      %reduce_min3A_432 = vector.multi_reduction <minimumf>, %select_n3A_430, %reduce_min3A_431 [0] : vector<272x256xf32> to vector<256xf32>
      %broadcast_in_dim3A_433 = vector.shape_cast %reduce_min3A_432 : vector<256xf32> to vector<1x256xf32>
      %argmin3A_434 = tpu.reduce_index %select_n3A_430 {axis = 0 : i32, kind = #tpu.reduction_kind<arg_min>} : vector<272x256xf32> -> vector<256xi32>
      %broadcast_in_dim3A_435 = vector.shape_cast %argmin3A_434 : vector<256xi32> to vector<1x256xi32>
      %eq3A_436 = vector.broadcast %broadcast_in_dim3A_435 : vector<1x256xi32> to vector<16x256xi32>
      %eq3A_437 = arith.cmpi eq, %iota3A, %eq3A_436 : vector<16x256xi32>
      %jit3A_438 = arith.constant 1073741824 : i32
      %broadcast_in_dim3A_439 = vector.broadcast %jit3A_438 : i32 to vector<16x256xi32>
      %select_n3A_440 = arith.select %eq3A_437, %while3A_31, %broadcast_in_dim3A_439 : vector<16x256xi1>, vector<16x256xi32>
      %reduce_min3A_441 = arith.constant dense<2147483647> : vector<256xi32>
      %reduce_min3A_442 = vector.multi_reduction <minsi>, %select_n3A_440, %reduce_min3A_441 [0] : vector<16x256xi32> to vector<256xi32>
      %broadcast_in_dim3A_443 = vector.shape_cast %reduce_min3A_442 : vector<256xi32> to vector<1x256xi32>
      %lt3A_444 = arith.constant 16 : i32
      %lt3A_445 = vector.broadcast %lt3A_444 : i32 to vector<1x256xi32>
      %lt3A_446 = arith.cmpi slt, %broadcast_in_dim3A_435, %lt3A_445 : vector<1x256xi32>
      %add3A_447 = vector.broadcast %mul3A_35 : i32 to vector<1x256xi32>
      %add3A_448 = arith.addi %add3A_447, %broadcast_in_dim3A_435 : vector<1x256xi32>
      %sub3A_449 = arith.constant 16 : i32
      %sub3A_450 = vector.broadcast %sub3A_449 : i32 to vector<1x256xi32>
      %sub3A_451 = arith.subi %add3A_448, %sub3A_450 : vector<1x256xi32>
      %select_n3A_452 = arith.select %lt3A_446, %broadcast_in_dim3A_443, %sub3A_451 : vector<1x256xi1>, vector<1x256xi32>
      %eq3A_453 = vector.broadcast %broadcast_in_dim3A_435 : vector<1x256xi32> to vector<272x256xi32>
      %eq3A_454 = arith.cmpi eq, %iota3A_10, %eq3A_453 : vector<272x256xi32>
      %jit3A_455 = arith.constant 0x7F800000 : f32
      %broadcast_in_dim3A_456 = vector.broadcast %jit3A_455 : f32 to vector<272x256xf32>
      %select_n3A_457 = arith.select %eq3A_454, %broadcast_in_dim3A_456, %select_n3A_430 : vector<272x256xi1>, vector<272x256xf32>
      %reduce_min3A_458 = arith.constant dense<0x7F800000> : vector<256xf32>
      %reduce_min3A_459 = vector.multi_reduction <minimumf>, %select_n3A_457, %reduce_min3A_458 [0] : vector<272x256xf32> to vector<256xf32>
      %broadcast_in_dim3A_460 = vector.shape_cast %reduce_min3A_459 : vector<256xf32> to vector<1x256xf32>
      %argmin3A_461 = tpu.reduce_index %select_n3A_457 {axis = 0 : i32, kind = #tpu.reduction_kind<arg_min>} : vector<272x256xf32> -> vector<256xi32>
      %broadcast_in_dim3A_462 = vector.shape_cast %argmin3A_461 : vector<256xi32> to vector<1x256xi32>
      %eq3A_463 = vector.broadcast %broadcast_in_dim3A_462 : vector<1x256xi32> to vector<16x256xi32>
      %eq3A_464 = arith.cmpi eq, %iota3A, %eq3A_463 : vector<16x256xi32>
      %jit3A_465 = arith.constant 1073741824 : i32
      %broadcast_in_dim3A_466 = vector.broadcast %jit3A_465 : i32 to vector<16x256xi32>
      %select_n3A_467 = arith.select %eq3A_464, %while3A_31, %broadcast_in_dim3A_466 : vector<16x256xi1>, vector<16x256xi32>
      %reduce_min3A_468 = arith.constant dense<2147483647> : vector<256xi32>
      %reduce_min3A_469 = vector.multi_reduction <minsi>, %select_n3A_467, %reduce_min3A_468 [0] : vector<16x256xi32> to vector<256xi32>
      %broadcast_in_dim3A_470 = vector.shape_cast %reduce_min3A_469 : vector<256xi32> to vector<1x256xi32>
      %lt3A_471 = arith.constant 16 : i32
      %lt3A_472 = vector.broadcast %lt3A_471 : i32 to vector<1x256xi32>
      %lt3A_473 = arith.cmpi slt, %broadcast_in_dim3A_462, %lt3A_472 : vector<1x256xi32>
      %add3A_474 = vector.broadcast %mul3A_35 : i32 to vector<1x256xi32>
      %add3A_475 = arith.addi %add3A_474, %broadcast_in_dim3A_462 : vector<1x256xi32>
      %sub3A_476 = arith.constant 16 : i32
      %sub3A_477 = vector.broadcast %sub3A_476 : i32 to vector<1x256xi32>
      %sub3A_478 = arith.subi %add3A_475, %sub3A_477 : vector<1x256xi32>
      %select_n3A_479 = arith.select %lt3A_473, %broadcast_in_dim3A_470, %sub3A_478 : vector<1x256xi1>, vector<1x256xi32>
      %concatenate3A_480 = tpu.concatenate %broadcast_in_dim3A_57, %broadcast_in_dim3A_82, %broadcast_in_dim3A_109, %broadcast_in_dim3A_136, %broadcast_in_dim3A_163, %broadcast_in_dim3A_190, %broadcast_in_dim3A_217, %broadcast_in_dim3A_244, %broadcast_in_dim3A_271, %broadcast_in_dim3A_298, %broadcast_in_dim3A_325, %broadcast_in_dim3A_352, %broadcast_in_dim3A_379, %broadcast_in_dim3A_406, %broadcast_in_dim3A_433, %broadcast_in_dim3A_460 in 0 : vector<1x256xf32>, vector<1x256xf32>, vector<1x256xf32>, vector<1x256xf32>, vector<1x256xf32>, vector<1x256xf32>, vector<1x256xf32>, vector<1x256xf32>, vector<1x256xf32>, vector<1x256xf32>, vector<1x256xf32>, vector<1x256xf32>, vector<1x256xf32>, vector<1x256xf32>, vector<1x256xf32>, vector<1x256xf32> -> vector<16x256xf32>
      %concatenate3A_481 = tpu.concatenate %select_n3A_74, %select_n3A_101, %select_n3A_128, %select_n3A_155, %select_n3A_182, %select_n3A_209, %select_n3A_236, %select_n3A_263, %select_n3A_290, %select_n3A_317, %select_n3A_344, %select_n3A_371, %select_n3A_398, %select_n3A_425, %select_n3A_452, %select_n3A_479 in 0 : vector<1x256xi32>, vector<1x256xi32>, vector<1x256xi32>, vector<1x256xi32>, vector<1x256xi32>, vector<1x256xi32>, vector<1x256xi32>, vector<1x256xi32>, vector<1x256xi32>, vector<1x256xi32>, vector<1x256xi32>, vector<1x256xi32>, vector<1x256xi32>, vector<1x256xi32>, vector<1x256xi32>, vector<1x256xi32> -> vector<16x256xi32>
      scf.yield %concatenate3A_480, %concatenate3A_481 : vector<16x256xf32>, vector<16x256xi32>
    }
    %swap3A = arith.constant 0 : index
    %swap3A_27 = arith.constant 0 : index
    %swap3A_28 = vector.load %arg7[%swap3A, %swap3A_27] : memref<16x256xi32, #tpu.memory_space<vmem>>, vector<16x256xi32>
    tpu.vector_store %arg7[%swap3A, %swap3A_27], %while3A_26#1 {strides = array<i32>} : memref<16x256xi32, #tpu.memory_space<vmem>>, vector<16x256xi32>,
    return
  }
  func.func @transform_0(%arg0: i32, %arg1: memref<40xi32, #tpu.memory_space<smem>>, %arg2: memref<40xi32, #tpu.memory_space<smem>>) -> (i32, i32) {
    %c0_i32 = arith.constant 0 : i32
    %c0_i32_0 = arith.constant 0 : i32
    %c0_i32_1 = arith.constant 0 : i32
    return %c0_i32, %c0_i32_0 : i32, i32
  }
  func.func @transform_1(%arg0: i32, %arg1: memref<40xi32, #tpu.memory_space<smem>>, %arg2: memref<40xi32, #tpu.memory_space<smem>>) -> (i32, i32) {
    %c0_i32 = arith.constant 0 : i32
    %c0_i32_0 = arith.constant 0 : i32
    %c0_i32_1 = arith.constant 0 : i32
    return %c0_i32, %c0_i32_0 : i32, i32
  }
  func.func @transform_2(%arg0: i32, %arg1: memref<40xi32, #tpu.memory_space<smem>>, %arg2: memref<40xi32, #tpu.memory_space<smem>>) -> (i32, i32) {
    %c0_i32 = arith.constant 0 : i32
    %c0_i32_0 = arith.constant 0 : i32
    %c0_i32_1 = arith.constant 0 : i32
    return %c0_i32, %c0_i32_0 : i32, i32
  }
  func.func @transform_3(%arg0: i32, %arg1: memref<40xi32, #tpu.memory_space<smem>>, %arg2: memref<40xi32, #tpu.memory_space<smem>>) -> (i32, i32) {
    %c0_i32 = arith.constant 0 : i32
    %c0_i32_0 = arith.constant 0 : i32
    %c0_i32_1 = arith.constant 0 : i32
    return %c0_i32, %c0_i32_0 : i32, i32
  }
  func.func @transform_4(%arg0: i32, %arg1: memref<40xi32, #tpu.memory_space<smem>>, %arg2: memref<40xi32, #tpu.memory_space<smem>>) -> (i32, i32) {
    %c0_i32 = arith.constant 0 : i32
    %c0_i32_0 = arith.constant 0 : i32
    return %c0_i32, %arg0 : i32, i32
  }
}

</mosaic_0001>

<sc_bundles>
// kernel: _knn_pallas.4.cloned.1.call-start
scs
__scs_entry_jumppad:
0x0: {  	(pc) =	sbr.rel $0x88, $3  }
0x1: {  	(tag) =	ssettag $0x0;
	lr =	simm.s32 $0x1  }
0x2: {  	[smem:$0x3F9F] =	sst lr;
	_ =	strace $0xD0000000  }
0x3: {  	_ = 	snop  }
0x4: {  	_ = 	snop  }
0x5: {  	_ = 	snop  }
0x6: {  	_ = 	snop  }
0x7: {  	_ = 	snop  }
__scs_overlays_trampoline_lowered:
0x8: {  	[smem:$0x3FAE] =	sst s0  }
0x9: {  	[smem:$0x3FAF] =	sst s1  }
0xa: {  	[smem:$0x3FB0] =	sst s2  }
0xb: {  	[smem:$0x3FB1] =	sst s3  }
0xc: {  	[smem:$0x3FB2] =	sst s4  }
0xd: {  	[smem:$0x3FB3] =	sst s5  }
0xe: {  	[smem:$0x3FB4] =	sst s6  }
0xf: {  	[smem:$0x3FB5] =	sst s7  }
0x10: {  	[smem:$0x3FB6] =	sst s8  }
0x11: {  	[smem:$0x3FB7] =	sst s9;
	s0 =	simm.s32 @!p0 $0x0  }
0x12: {  	s1 =	sld [smem:$0x3F9D];
	s0 =	simm.s32 @p0 $0x1  }
0x13: {  	[smem:$0x3FB8] =	sst s0;
	s0 =	simm.s32 @!p1 $0x0  }
0x14: {  	s2 =	sld [smem:$0x3F9C];
	s0 =	simm.s32 @p1 $0x1  }
0x15: {  	[smem:$0x3FB9] =	sst s0;
	s0 =	simm.s32 @!p2 $0x0  }
0x16: {  	s3 =	sld [smem:$0x3FDB];
	s0 =	simm.s32 @p2 $0x1  }
0x17: {  	s4 =	simm.s32 $0x1BF5;
	[smem:$0x3FBB] =	sst s0  }
0x18: {  	s0 =	sld [smem:$0x3F9E];
	_ =	swait.ge [sflag:s4], $0x0  }
0x19: {  	s7 =	sld [smem:$0x3F9F]  }
0x1a: {  	s8 =	sadd.s32 $0xFFFFE003, lr  }
0x1b: {  	s9 =	sadd.s32 $0xFFFFFEF7, lr;
	s5 =	simm.s32 $0xFFFFFFFF;
	p2 =	slt.u32 s8, $0xFFFFF086  }
0x1c: {  	p1 =	slt.u32 s9, $0xF7A;
	s5 =	simm.s32 @!p2 $0x0  }
0x1d: {  	s5 =	simm.s32 @p1 $0x1;
	p0 =	seq.s32 s7, s2  }
0x1e: {  	s7 =	smul.u32 @!p0 $0xF7A, s2;
	p2 =	seq.s32 @!p0 s5, $0x0  }
0x1f: {  	s9 =	smul.u32 $0xF7A, s1;
	s8 =	simm.s32 @!p0 $0x1BF5;
	p2 =	por !p2, p0  }
0x20: {  	[sflag:s8] =	ssyncset.s32 @!p0 $0xFFFFF086;
	s6 =	sadd.s32 @!p0 s3, s7;
	s7 =	simm.s32 @!p0 $0x108  }
0x21: {  	s3 =	sadd.s32 s3, s9;
	s6 =	sadd.s32 @!p0 $0x88, s6;
	s7 =	simm.s32 @p2 $0x1082  }
0x22: {  	[simem:s7], [sflag:s8] =	dma.local @!p0 [hbm:s6], $0xF7A  }
0x23: {  	s9 =	sor.u32 $0xD0000000, s2;
	s6 =	simm.s32 $0x108;
	_ =	swait.ge @!p0 [sflag:s8], $0x0  }
0x24: {  	s3 =	sadd.s32 $0x88, s3;
	s6 =	simm.s32 @!p1 $0x1082;
	[sflag:s4] =	ssyncset.s32 $0xFFFFF086  }
0x25: {  	[simem:s6], [sflag:s4] =	dma.local [hbm:s3], $0xF7A  }
0x26: {  	[smem:$0x3F9F] =	sst s1;
	(tag) =	ssettag s2;
	_ =	strace s9  }
0x27: {  	s1 =	sld [smem:$0x3FAF]  }
0x28: {  	s2 =	sld [smem:$0x3FB0]  }
0x29: {  	s4 =	sld [smem:$0x3FB2]  }
0x2a: {  	p0 =	seq.s32 s5, $0x0;
	s5 =	sld [smem:$0x3FB3]  }
0x2b: {  	s6 =	sld [smem:$0x3FB4]  }
0x2c: {  	s7 =	sld [smem:$0x3FB5]  }
0x2d: {  	s3 =	simm.s32 $0x108;
	s8 =	sld [smem:$0x3FB6]  }
0x2e: {  	s3 =	simm.s32 @!p0 $0x1082;
	s9 =	sld [smem:$0x3FB7]  }
0x2f: {  	lr =	sadd.s32 s0, s3;
	s0 =	sld [smem:$0x3FAE]  }
0x30: {  	s3 =	sld [smem:$0x3FB1]  }
0x31: {  	[smem:$0x3FBA] =	sst s10  }
0x32: {  	s10 =	sld [smem:$0x3FB8];
	_ =	sdelay $0x3  }
0x33: {  	p0 =	seq.s32 s10, $0x1;
	s10 =	sld [smem:$0x3FBA];
	_ =	sdelay $0x3  }
0x34: {  	[smem:$0x3FBA] =	sst s10  }
0x35: {  	s10 =	sld [smem:$0x3FB9];
	_ =	sdelay $0x3  }
0x36: {  	p1 =	seq.s32 s10, $0x1;
	s10 =	sld [smem:$0x3FBA];
	_ =	sdelay $0x3  }
0x37: {  	[smem:$0x3FBA] =	sst s10  }
0x38: {  	s10 =	sld [smem:$0x3FBB]  }
0x39: {  	_ = 	snop;
	(pc) =	sbr.ind lr, $3  }
0x3a: {  	_ = 	snop  }
0x3b: {  	_ = 	snop  }
0x3c: {  	p2 =	seq.s32 s10, $0x1;
	s10 =	sld [smem:$0x3FBA]  }
0x3d: {  	_ =	shalt  }
0x3e: {  	_ =	shalt  }
0x3f: {  	_ =	shalt  }
0x40: {  	_ =	shalt  }
0x41: {  	_ =	shalt  }
0x42: {  	_ =	shalt  }
0x43: {  	_ =	shalt  }
0x44: {  	_ =	shalt  }
0x45: {  	_ =	shalt  }
0x46: {  	_ =	shalt  }
0x47: {  	_ =	shalt  }
0x48: {  	_ =	shalt  }
0x49: {  	_ =	shalt  }
0x4a: {  	_ =	shalt  }
0x4b: {  	_ =	shalt  }
0x4c: {  	_ =	shalt  }
0x4d: {  	_ =	shalt  }
0x4e: {  	_ =	shalt  }
0x4f: {  	_ =	shalt  }
0x50: {  	_ =	shalt  }
0x51: {  	_ =	shalt  }
0x52: {  	_ =	shalt  }
0x53: {  	_ =	shalt  }
0x54: {  	_ =	shalt  }
0x55: {  	_ =	shalt  }
0x56: {  	_ =	shalt  }
0x57: {  	_ =	shalt  }
0x58: {  	_ =	shalt  }
0x59: {  	_ =	shalt  }
0x5a: {  	_ =	shalt  }
0x5b: {  	_ =	shalt  }
0x5c: {  	_ =	shalt  }
0x5d: {  	_ =	shalt  }
0x5e: {  	_ =	shalt  }
0x5f: {  	_ =	shalt  }
0x60: {  	_ =	shalt  }
0x61: {  	_ =	shalt  }
0x62: {  	_ =	shalt  }
0x63: {  	_ =	shalt  }
0x64: {  	_ =	shalt  }
0x65: {  	_ =	shalt  }
0x66: {  	_ =	shalt  }
0x67: {  	_ =	shalt  }
0x68: {  	_ =	shalt  }
0x69: {  	_ =	shalt  }
0x6a: {  	_ =	shalt  }
0x6b: {  	_ =	shalt  }
0x6c: {  	_ =	shalt  }
0x6d: {  	_ =	shalt  }
0x6e: {  	_ =	shalt  }
0x6f: {  	_ =	shalt  }
0x70: {  	_ =	shalt  }
0x71: {  	_ =	shalt  }
0x72: {  	_ =	shalt  }
0x73: {  	_ =	shalt  }
0x74: {  	_ =	shalt  }
0x75: {  	_ =	shalt  }
0x76: {  	_ =	shalt  }
0x77: {  	_ =	shalt  }
0x78: {  	_ =	shalt  }
0x79: {  	_ =	shalt  }
0x7a: {  	_ =	shalt  }
0x7b: {  	_ =	shalt  }
0x7c: {  	_ =	shalt  }
0x7d: {  	_ =	shalt  }
0x7e: {  	_ =	shalt  }
0x7f: {  	_ =	shalt  }
0x80: {  	_ =	shalt  }
0x81: {  	_ =	shalt  }
0x82: {  	_ =	shalt  }
0x83: {  	_ =	shalt  }
0x84: {  	_ =	shalt  }
0x85: {  	_ =	shalt  }
0x86: {  	_ =	shalt  }
0x87: {  	_ =	shalt  }
.Lfunc_end0:
.L_simem_size_0:
called_computation_lowered:
.L_overlay_start_0:
0x88: {  	s2 =	sld [smem:$0x3FD9]  }
0x89: {  	s3 =	sld [smem:$0x3FFE];
	_ =	sdelay $0x1  }
0x8a: {  	s1 =	srdreg.scid  }
0x8b: {  	s0 =	sand.u32 $0x1, s1  }
0x8c: {  	s14 =	sshll.u32 s0, $0xA;
	s2 =	sadd.s32 s3, s2  }
0x8d: {  	s2 =	sadd.s32 s2, s14  }
0x8e: {  	[smem:$0x3FC6] =	sst s2  }
0x8f: {  	_ = 	snop  }
0x90: {  	s2 =	sld [smem:$0x3FD0];
	_ =	sdelay $0x2  }
0x91: {  	s15 =	simm.s32 $0xA;
	s4 =	simm.s32 $0x10  }
0x92: {  	[smem:s4], [sflag:s15] =	dma.local [hbm:s2], $0x1  }
0x93: {  	_ =	swait.eq [sflag:s15], $0x1  }
0x94: {  	s16 =	sld [smem:$0x10];
	[sflag:s15] =	ssyncset.done $0x0  }
0x95: {  	s17 =	sld [smem:$0x11];
	[sflag:s15] =	ssyncadd.s32 $0xFFFFFFFF  }
0x96: {  	s18 =	sld [smem:$0x12];
	(tm) =	ssettm $0x1  }
0x97: {  	s5 =	sld [smem:$0x3FFB];
	_ =	sdelay $0x3  }
0x98: {  	_ =	strace s5  }
0x99: {  	s5 =	sld [smem:$0x3FFC];
	_ =	sdelay $0x3  }
0x9a: {  	_ =	strace s5  }
0x9b: {  	s5 =	sld [smem:$0x3FFD];
	_ =	sdelay $0x3  }
0x9c: {  	_ =	strace s5  }
0x9d: {  	_ =	strace $0x8FFFFFFF  }
0x9e: {  	s19 =	sld [smem:$0x3FDB];
	_ =	sdelay $0x1  }
0x9f: {  	s6 =	simm.s32 $_scs_section_size  }
0xa0: {  	s7 =	simm.s32 $_size__tile_overlayer_lowered;
	s8 =	simm.s32 $_tile_overlayer_lowered  }
0xa1: {  	s22 =	simm.s32 $0x1BFF;
	s21 =	sshll.u32 s8, $0x1;
	s5 =	sadd.s32 s6, s19  }
0xa2: {  	s9 =	simm.s32 $0x0;
	s20 =	sshll.u32 s7, $0x1;
	s7 =	sadd.s32 s21, s5  }
0xa3: {  	[timem:s9], [sflag:s22] =	dma.local [hbm:s7], s20  }
0xa4: {  	_ =	swait.ge [sflag:s22], s20  }
0xa5: {  	s6 =	ssub.s32 $0x0, s20;
	[sflag:s22] =	ssyncset.done $0x0  }
0xa6: {  	[sflag:s22] =	ssyncadd.s32 s6;
	_ =	sdelay $0x1  }
0xa7: {  	s23 =	simm.s32 $0x1B8B  }
0xa8: {  	_ =	swait.ge [sflag:s23], $0x1  }
0xa9: {  	[sflag:s23] =	ssyncset.done $0x0  }
0xaa: {  	s25 =	simm.s32 $0x1B8E;
	s24 =	sld [smem:$0x3FFE];
	[sflag:s23] =	ssyncadd.s32 $0xFFFFFFFF  }
0xab: {  	s26 =	simm.s32 $execute0_lowered;
	[smem:$0x3FD2] =	sst s25  }
0xac: {  	s7 =	sshll.u32 s26, $0x1;
	_ =	strace $0x80000046;
	[dreg:$0x1] =	wrdreg $0xFFFFFFFF  }
0xad: {  	s28 =	simm.s32 $_size_execute0_lowered;
	s5 =	sadd.s32 s5, s7;
	[dreg:$0x0] =	wrdreg $0x0  }
0xae: {  	s7 =	sshll.u32 s28, $0x1;
	[dreg:$0x2] =	wrdreg s5  }
0xaf: {  	[dreg:$0x3] =	wrdreg s7  }
0xb0: {  	[dreg:$0x4] =	wrdreg $0xC0  }
0xb1: {  	_ =	task [dreg:s9], $0x5FFFF  }
0xb2: {  	[dreg:$0x1] =	wrdreg $0xFFFFFFFF  }
0xb3: {  	[dreg:$0x0] =	wrdreg $0x60  }
0xb4: {  	[dreg:$0x2] =	wrdreg s24  }
0xb5: {  	[dreg:$0x3] =	wrdreg s16  }
0xb6: {  	[dreg:$0x4] =	wrdreg s17  }
0xb7: {  	[dreg:$0x5] =	wrdreg s18  }
0xb8: {  	[dreg:$0x6] =	wrdreg $0x9  }
0xb9: {  	_ =	task.clear_ibuf [dreg:s9], $0x7FFFF;
	_ =	strace $0x90000046  }
0xba: {  	s29 =	simm.s32 $0x9;
	_ =	strace $0x80000048  }
0xbb: {  	_ =	swait.ge [sflag:s29], $0x1  }
0xbc: {  	[sflag:s29] =	ssyncadd.s32 $0xFFFFFFFF  }
0xbd: {  	_ =	strace $0x90000048  }
0xbe: {  	_ =	sfence  }
0xbf: {  	s30 =	sld [smem:$0x0];
	_ =	sdelay $0x2  }
0xc0: {  	s31 =	sshll.u32 s1, $0xD;
	s1 =	sshrl.u32 s1, $0x2  }
0xc1: {  	s3 =	sand.u32 $0x4000, s31;
	s1 =	sadd.s32 s1, s30  }
0xc2: {  	s0 =	sor.u32 s3, s0;
	s1 =	sshll.u32 s1, $0x11  }
0xc3: {  	s0 =	sor.u32 s1, s0  }
0xc4: {  	s0 =	sadd.s32 $0x8F2B, s0  }
0xc5: {  	[sflag:s0] =	ssyncadd.remote.s32 $0x1  }
0xc6: {  	_ =	sfence.sel $0xFFFF  }
0xc7: {  	[dreg:$0x0] =	wrdreg $0xFFFFFFFF;
	(pc) =	sbr.abs _section_cstart, $3  }
0xc8: {  	[dreg:$0x1] =	wrdreg $0xFFFFFFFF  }
0xc9: {  	_ =	task.clear_ibuf [dreg:s9], $0x2FFFF;
	_ =	strace $0x9FFFFFFF  }
0xca: {  	(tm) =	ssettm $0x7FFFFFFF  }
0xcb: {  	_ =	shalt  }
tec
execute0_lowered:
.L_overlay_start_1:
0x0: {  	(tag) =	ssettag $0x1  }
0x1: {  	s3 =	rddreg [dreg:$0x0]  }
0x2: {  	s4 =	rddreg [dreg:$0x1]  }
0x3: {  	s1 =	srdreg.scid;
	s0 =	stileid.u32  }
0x4: {  	s5 =	rddreg [dreg:$0x2];
	s6 =	sand.u32 $0x1, s1;
	s29 =	sshll.u32 s0, $0x1  }
0x5: {  	s7 =	rddreg [dreg:$0x3];
	s2 =	simm.s32 $0x0;
	s8 =	sor.u32 s6, s29  }
0x6: {  	s11 =	simm.s32 $0x3A00;
	s12 =	simm.s32 $0x0;
	s9 =	smul.u32 $0x140, s8  }
0x7: {  	v1 =	vlaneseq.u32;
	v2 =	vimm.s32 $0x4;
	s1 =	rddreg [dreg:$0x4];
	s6 =	ssub.s32 $0x2, s6;
	s10 =	smul.u32 $0x280, s8  }
0x8: {  	v3 =	vimm.s32 $0x0;
	v4 =	vimm.s32 $0x1;
	v5 =	vimm.s32 $0x2;
	[smem:$0x7FF] =	sst s2;
	s30 =	sshrl.u32 s6, $0x1;
	s8 =	smul.u32 $0x258, s8  }
0x9: {  	v6 =	vimm.s32 $0x3;
	v7 =	vimm.s32 $0x5;
	v8 =	vimm.s32 $0x6;
	_ =	strace $0x80000047;
	s3 =	sadd.s32 s10, s3;
	s10 =	ssub.s32 s6, s30  }
0xa: {  	v9 =	vimm.s32 $0x7;
	v10 =	vimm.s32 $0x8;
	v11 =	vimm.s32 $0x9;
	s31 =	sshrl.u32 s9, $0x3;
	s4 =	sadd.s32 s4, s8;
	s5 =	sadd.s32 s5, s8  }
0xb: {  	v12 =	vimm.s32 $0xA;
	v13 =	vimm.s32 $0xB;
	v0 =	vmov s9;
	s8 =	simm.s32 $0x1;
	s9 =	simm.s32 $0x1400;
	s3 =	sadd.s32 $0x1400, s3  }
0xc: {  	v14 =	vimm.s32 $0xC;
	v15 =	vimm.s32 $0xD;
	v16 =	vimm.s32 $0xE;
	s6 =	sadd.s32 s7, s31;
	s7 =	smax.u32 s10, $0x1;
	s10 =	simm.s32 $0x2700  }
.LBB2_1:
0xd: {  	v18 =	vor.u32 s2, v1  }
0xe: {  	v19 =	vshll.u32 v18, $0x4  }
0xf: {  	[tilespmem:s2], [sflag:$0x1] =	stream.linear.gather [hbm4b:s3+s2], $0x1400, $0x38;
	v17 =	vor.u32 $0x1, v19;
	[tilespmem:$0x3B80] =	vst v63  }
0x10: {  	_ =	swait.ge [sflag:s8], $0x1400;
	v20 =	vor.u32 $0x2, v19  }
0x11: {  	[sflag:s8] =	ssyncset.done $0x0;
	v21 =	vor.u32 $0x4, v19  }
0x12: {  	v22 =	vor.u32 $0x3, v19;
	[sflag:s8] =	ssyncadd.s32 $0xFFFFEC00  }
0x13: {  	v27 =	vor.u32 $0x7, v19;
	v23 =	vld.idx.msk [tilespmem:v19+s2+$0x0], $0xffff  }
0x14: {  	v29 =	vor.u32 $0x9, v19;
	v25 =	vld.idx.msk [tilespmem:v17+s2+$0x0], $0xffff  }
0x15: {  	v30 =	vor.u32 $0xA, v19;
	v20 =	vld.idx.msk [tilespmem:v20+s2+$0x0], $0xffff  }
0x16: {  	v31 =	vor.u32 $0xB, v19;
	v21 =	vld.idx.msk [tilespmem:v21+s2+$0x0], $0xffff  }
0x17: {  	v33 =	vor.u32 $0xD, v19;
	v22 =	vld.idx.msk [tilespmem:v22+s2+$0x0], $0xffff  }
0x18: {  	v27 =	vld.idx.msk [tilespmem:v27+s2+$0x0], $0xffff  }
0x19: {  	v49 =	vld.idx.msk [tilespmem:v29+s2+$0x0], $0xffff  }
0x1a: {  	v51 =	vld.idx.msk [tilespmem:v30+s2+$0x0], $0xffff  }
0x1b: {  	v54 =	vld.idx.msk [tilespmem:v31+s2+$0x0], $0xffff  }
0x1c: {  	v24 =	vor.u32 $0x5, v19;
	v26 =	vor.u32 $0x6, v19;
	v28 =	vor.u32 $0x8, v19;
	v56 =	vld.idx.msk [tilespmem:v33+s2+$0x0], $0xffff  }
0x1d: {  	v32 =	vor.u32 $0xC, v19;
	v34 =	vor.u32 $0xE, v19;
	v17 =	vadd.s32 v0, v18  }
0x1e: {  	v35 =	vor.u32 $0xF, v19;
	vm0 =	veq.s32 v23, v17;
	vm1 =	veq.s32 v25, v17  }
0x1f: {  	v44 =	vsel vm0, $0x1, v3;
	vm11 =	veq.s32 v20, v17;
	vm12 =	veq.s32 v21, v17  }
0x20: {  	vm13 =	veq.s32 v22, v17;
	vm15 =	veq.s32 v27, v17;
	vm6 =	veq.s32 v51, v17  }
0x21: {  	v23 =	vld.idx.msk [tilespmem:v24+s2+$0x0], $0xffff;
	vm7 =	veq.s32 v49, v17;
	vm8 =	veq.s32 v54, v17;
	vm9 =	veq.s32 v56, v17  }
0x22: {  	v25 =	vsel vm1, $0x1, v3;
	v45 =	vsel vm11, $0x2, v3;
	v36 =	vsel vm11, $0x1, v3  }
0x23: {  	v21 =	vsel vm12, $0x4, v3;
	v22 =	vsel vm12, $0x1, v3;
	v46 =	vsel vm13, $0x3, v3  }
0x24: {  	v20 =	vld.idx.msk [tilespmem:v26+s2+$0x0], $0xffff;
	v47 =	vsel vm13, $0x1, v3;
	v27 =	vsel vm15, $0x7, v3;
	v57 =	vsel vm7, $0x9, v3  }
0x25: {  	v58 =	vsel vm7, $0x1, v3;
	v59 =	vsel vm6, $0x1, v3;
	v24 =	vadd.s32 v44, v25  }
0x26: {  	v25 =	vor.u32 v25, v45;
	v24 =	vadd.s32 v36, v24;
	vm14 =	veq.s32 v23, v17;
	v23 =	vld.idx.msk [tilespmem:v28+s2+$0x0], $0xffff  }
0x27: {  	v61 =	vsel vm8, $0xB, v3;
	v25 =	vadd.s32 v46, v25;
	v24 =	vadd.s32 v47, v24  }
0x28: {  	v21 =	vadd.s32 v21, v25;
	v48 =	vsel vm14, $0x5, v3;
	v22 =	vadd.s32 v22, v24  }
0x29: {  	v50 =	vsel vm14, $0x1, v3;
	vm4 =	veq.s32 v20, v17;
	v21 =	vadd.s32 v48, v21  }
0x2a: {  	v60 =	vld.idx.msk [tilespmem:v34+s2+$0x0], $0xffff;
	v20 =	vadd.s32 v50, v22;
	v22 =	vsel vm15, $0x1, v3;
	v52 =	vsel vm4, $0x6, v3  }
0x2b: {  	v53 =	vsel vm4, $0x1, v3;
	v21 =	vadd.s32 v52, v21;
	vm5 =	veq.s32 v23, v17;
	v23 =	vld.idx.msk [tilespmem:v32+s2+$0x0], $0xffff  }
0x2c: {  	v20 =	vadd.s32 v53, v20;
	v21 =	vadd.s32 v27, v21;
	v55 =	vsel vm5, $0x8, v3  }
0x2d: {  	v20 =	vadd.s32 v22, v20;
	v22 =	vsel vm5, $0x1, v3;
	v21 =	vadd.s32 v55, v21  }
0x2e: {  	v20 =	vadd.s32 v22, v20;
	v22 =	vsel vm6, $0xA, v3;
	v21 =	vadd.s32 v57, v21  }
0x2f: {  	vm11 =	veq.s32 v60, v17;
	v20 =	vadd.s32 v58, v20;
	v21 =	vadd.s32 v22, v21;
	v22 =	vld.idx.msk [tilespmem:v35+s2+$0x0], $0xffff  }
0x30: {  	v24 =	vsel vm8, $0x1, v3;
	v20 =	vadd.s32 v59, v20;
	vm10 =	veq.s32 v23, v17  }
0x31: {  	v20 =	vadd.s32 v24, v20;
	v21 =	vadd.s32 v61, v21;
	v62 =	vsel vm10, $0xC, v3  }
0x32: {  	v23 =	vsel vm9, $0xD, v3;
	v63 =	vsel vm10, $0x1, v3;
	v21 =	vadd.s32 v62, v21  }
0x33: {  	v27 =	vsel vm9, $0x1, v3;
	v20 =	vadd.s32 v63, v20;
	v21 =	vadd.s32 v23, v21  }
0x34: {  	v20 =	vadd.s32 v27, v20;
	v23 =	vsel vm11, $0x1, v3;
	vm12 =	veq.s32 v22, v17  }
0x35: {  	v22 =	vsel vm11, $0xE, v3;
	v20 =	vadd.s32 v23, v20;
	v23 =	vsel vm12, $0x1, v3  }
0x36: {  	v21 =	vadd.s32 v22, v21;
	v22 =	vsel vm12, $0xF, v3;
	v20 =	vadd.s32 v23, v20  }
0x37: {  	v21 =	vadd.s32 v22, v21;
	vm13 =	veq.s32 v20, $0x0  }
0x38: {  	v21 =	vsel vm13, $0x10, v21  }
0x39: {  	vm0 =	veq.s32 v21, $0x0  }
0x3a: {  	v22 =	vsel vm0, $0x1, v3  }
0x3b: {  	v22 =	vor.u32 v22, v19;
	_ =	sdelay $0x2  }
0x3c: {  	v20 =	vsub.s32 $0x10, v20  }
0x3d: {  	v18 =	vmul.u32 $0xF, v18;
	[tilespmem:s11+$0x0] =	vst v20  }
0x3e: {  	vm14 =	vlt.u32 v21, $0x2;
	v20 =	vld.idx.msk [tilespmem:v22+s2+$0x0], $0xffff  }
0x3f: {  	v22 =	vsel vm14, $0x2, v4  }
0x40: {  	v22 =	vor.u32 v19, v22;
	_ =	sdelay $0x2  }
0x41: {  	[tilespmem:v18+s9+$0x0] =	vst.idx.msk $0xffff, v20  }
0x42: {  	[tilespmem:v18+s10+$0x0] =	vst.idx.msk $0xffff, v17  }
0x43: {  	vm15 =	vlt.u32 v21, $0x3;
	v20 =	vld.idx.msk [tilespmem:v22+s2+$0x0], $0xffff;
	v22 =	vadd.s32 $0x1, v18  }
0x44: {  	v23 =	vsel vm15, $0x3, v5  }
0x45: {  	v23 =	vor.u32 v19, v23;
	_ =	sdelay $0x2  }
0x46: {  	[tilespmem:v22+s9+$0x0] =	vst.idx.msk $0xffff, v20  }
0x47: {  	[tilespmem:v22+s10+$0x0] =	vst.idx.msk $0xffff, v17  }
0x48: {  	vm4 =	vlt.u32 v21, $0x4;
	v22 =	vadd.s32 $0x2, v18;
	v20 =	vld.idx.msk [tilespmem:v23+s2+$0x0], $0xffff  }
0x49: {  	v23 =	vsel vm4, $0x4, v6  }
0x4a: {  	v23 =	vor.u32 v19, v23;
	_ =	sdelay $0x2  }
0x4b: {  	[tilespmem:v22+s9+$0x0] =	vst.idx.msk $0xffff, v20  }
0x4c: {  	[tilespmem:v22+s10+$0x0] =	vst.idx.msk $0xffff, v17  }
0x4d: {  	vm5 =	vlt.u32 v21, $0x5;
	v22 =	vadd.s32 $0x3, v18;
	v20 =	vld.idx.msk [tilespmem:v23+s2+$0x0], $0xffff  }
0x4e: {  	v23 =	vsel vm5, $0x5, v2  }
0x4f: {  	v23 =	vor.u32 v19, v23;
	_ =	sdelay $0x2  }
0x50: {  	[tilespmem:v22+s9+$0x0] =	vst.idx.msk $0xffff, v20  }
0x51: {  	[tilespmem:v22+s10+$0x0] =	vst.idx.msk $0xffff, v17  }
0x52: {  	vm6 =	vlt.u32 v21, $0x6;
	v22 =	vadd.s32 $0x4, v18;
	v20 =	vld.idx.msk [tilespmem:v23+s2+$0x0], $0xffff  }
0x53: {  	v23 =	vsel vm6, $0x6, v7  }
0x54: {  	v23 =	vor.u32 v19, v23;
	_ =	sdelay $0x2  }
0x55: {  	[tilespmem:v22+s9+$0x0] =	vst.idx.msk $0xffff, v20  }
0x56: {  	[tilespmem:v22+s10+$0x0] =	vst.idx.msk $0xffff, v17  }
0x57: {  	vm7 =	vlt.u32 v21, $0x7;
	v22 =	vadd.s32 $0x5, v18;
	v20 =	vld.idx.msk [tilespmem:v23+s2+$0x0], $0xffff  }
0x58: {  	v23 =	vsel vm7, $0x7, v8  }
0x59: {  	v23 =	vor.u32 v19, v23;
	_ =	sdelay $0x2  }
0x5a: {  	[tilespmem:v22+s9+$0x0] =	vst.idx.msk $0xffff, v20  }
0x5b: {  	[tilespmem:v22+s10+$0x0] =	vst.idx.msk $0xffff, v17  }
0x5c: {  	vm8 =	vlt.u32 v21, $0x8;
	v22 =	vadd.s32 $0x6, v18;
	v20 =	vld.idx.msk [tilespmem:v23+s2+$0x0], $0xffff  }
0x5d: {  	v23 =	vsel vm8, $0x8, v9  }
0x5e: {  	v23 =	vor.u32 v19, v23;
	_ =	sdelay $0x2  }
0x5f: {  	[tilespmem:v22+s9+$0x0] =	vst.idx.msk $0xffff, v20  }
0x60: {  	[tilespmem:v22+s10+$0x0] =	vst.idx.msk $0xffff, v17  }
0x61: {  	vm9 =	vlt.u32 v21, $0x9;
	v22 =	vadd.s32 $0x7, v18;
	v20 =	vld.idx.msk [tilespmem:v23+s2+$0x0], $0xffff  }
0x62: {  	v23 =	vsel vm9, $0x9, v10  }
0x63: {  	v23 =	vor.u32 v19, v23;
	_ =	sdelay $0x2  }
0x64: {  	[tilespmem:v22+s9+$0x0] =	vst.idx.msk $0xffff, v20  }
0x65: {  	[tilespmem:v22+s10+$0x0] =	vst.idx.msk $0xffff, v17  }
0x66: {  	vm10 =	vlt.u32 v21, $0xA;
	v22 =	vadd.s32 $0x8, v18;
	v20 =	vld.idx.msk [tilespmem:v23+s2+$0x0], $0xffff  }
0x67: {  	v23 =	vsel vm10, $0xA, v11  }
0x68: {  	v23 =	vor.u32 v19, v23;
	_ =	sdelay $0x2  }
0x69: {  	[tilespmem:v22+s9+$0x0] =	vst.idx.msk $0xffff, v20  }
0x6a: {  	[tilespmem:v22+s10+$0x0] =	vst.idx.msk $0xffff, v17  }
0x6b: {  	vm11 =	vlt.u32 v21, $0xB;
	v22 =	vadd.s32 $0x9, v18;
	v20 =	vld.idx.msk [tilespmem:v23+s2+$0x0], $0xffff  }
0x6c: {  	v23 =	vsel vm11, $0xB, v12  }
0x6d: {  	v23 =	vor.u32 v19, v23;
	_ =	sdelay $0x2  }
0x6e: {  	[tilespmem:v22+s9+$0x0] =	vst.idx.msk $0xffff, v20  }
0x6f: {  	[tilespmem:v22+s10+$0x0] =	vst.idx.msk $0xffff, v17  }
0x70: {  	vm12 =	vlt.u32 v21, $0xC;
	v22 =	vadd.s32 $0xA, v18;
	v20 =	vld.idx.msk [tilespmem:v23+s2+$0x0], $0xffff  }
0x71: {  	v23 =	vsel vm12, $0xC, v13  }
0x72: {  	v23 =	vor.u32 v19, v23;
	_ =	sdelay $0x2  }
0x73: {  	[tilespmem:v22+s9+$0x0] =	vst.idx.msk $0xffff, v20  }
0x74: {  	[tilespmem:v22+s10+$0x0] =	vst.idx.msk $0xffff, v17  }
0x75: {  	vm13 =	vlt.u32 v21, $0xD;
	v22 =	vadd.s32 $0xB, v18;
	v20 =	vld.idx.msk [tilespmem:v23+s2+$0x0], $0xffff  }
0x76: {  	v23 =	vsel vm13, $0xD, v14  }
0x77: {  	v23 =	vor.u32 v19, v23;
	_ =	sdelay $0x2  }
0x78: {  	[tilespmem:v22+s9+$0x0] =	vst.idx.msk $0xffff, v20  }
0x79: {  	[tilespmem:v22+s10+$0x0] =	vst.idx.msk $0xffff, v17  }
0x7a: {  	vm14 =	vlt.u32 v21, $0xE;
	v22 =	vadd.s32 $0xC, v18;
	v20 =	vld.idx.msk [tilespmem:v23+s2+$0x0], $0xffff  }
0x7b: {  	v23 =	vsel vm14, $0xE, v15  }
0x7c: {  	v23 =	vor.u32 v19, v23;
	_ =	sdelay $0x2  }
0x7d: {  	vm15 =	vlt.u32 v21, $0xF;
	[tilespmem:v22+s9+$0x0] =	vst.idx.msk $0xffff, v20  }
0x7e: {  	v20 =	vsel vm15, $0xF, v16;
	[tilespmem:v22+s10+$0x0] =	vst.idx.msk $0xffff, v17  }
0x7f: {  	s13 =	simm.s32 $0x10;
	s14 =	simm.s32 $0x3A00;
	v19 =	vor.u32 v19, v20;
	v20 =	vadd.s32 $0xD, v18;
	v21 =	vld.idx.msk [tilespmem:v23+s2+$0x0], $0xffff  }
.LBB2_2:
0x80: {  	_ =	sdelay $0x2  }
0x81: {  	p0 =	sne.s32 s13, $0x130  }
0x82: {  	s14 =	sadd.s32 $0x10, s14;
	s15 =	smov.u32 s13;
	s13 =	sadd.s32 $0x10, s13;
	[tilespmem:v20+s9+$0x0] =	vst.idx.msk $0xffff, v21  }
0x83: {  	[tilespmem:v20+s10+$0x0] =	vst.idx.msk $0xffff, v17  }
0x84: {  	v21 =	vadd.s32 $0xE, v18;
	v20 =	vld.idx.msk [tilespmem:v19+s2+$0x0], $0xffff;
	_ =	sdelay $0x1  }
0x85: {  	v18 =	vor.u32 s15, v1  }
0x86: {  	v19 =	vshll.u32 v18, $0x4  }
0x87: {  	v22 =	vor.u32 $0x1, v19;
	v23 =	vor.u32 $0x2, v19;
	v24 =	vor.u32 $0x3, v19  }
0x88: {  	v25 =	vor.u32 $0x4, v19;
	v26 =	vor.u32 $0x5, v19;
	v27 =	vor.u32 $0x6, v19  }
0x89: {  	v28 =	vor.u32 $0x7, v19;
	v29 =	vor.u32 $0x8, v19;
	v30 =	vor.u32 $0x9, v19;
	[tilespmem:v21+s9+$0x0] =	vst.idx.msk $0xffff, v20  }
0x8a: {  	v31 =	vor.u32 $0xB, v19;
	v32 =	vor.u32 $0xC, v19;
	v20 =	vor.u32 $0xA, v19;
	[tilespmem:v21+s10+$0x0] =	vst.idx.msk $0xffff, v17  }
0x8b: {  	v33 =	vor.u32 $0xD, v19;
	v34 =	vor.u32 $0xE, v19;
	v35 =	vor.u32 $0xF, v19;
	v21 =	vld.idx.msk [tilespmem:v19+s2+$0x0], $0xffff  }
0x8c: {  	v22 =	vld.idx.msk [tilespmem:v22+s2+$0x0], $0xffff  }
0x8d: {  	v23 =	vld.idx.msk [tilespmem:v23+s2+$0x0], $0xffff  }
0x8e: {  	v24 =	vld.idx.msk [tilespmem:v24+s2+$0x0], $0xffff  }
0x8f: {  	v25 =	vld.idx.msk [tilespmem:v25+s2+$0x0], $0xffff  }
0x90: {  	v17 =	vadd.s32 v0, v18  }
0x91: {  	vm0 =	veq.s32 v21, v17;
	v21 =	vld.idx.msk [tilespmem:v26+s2+$0x0], $0xffff  }
0x92: {  	vm1 =	veq.s32 v22, v17;
	v22 =	vld.idx.msk [tilespmem:v27+s2+$0x0], $0xffff  }
0x93: {  	v26 =	vsel vm0, $0x1, v3;
	v27 =	vsel vm1, $0x1, v3;
	vm0 =	veq.s32 v23, v17  }
0x94: {  	v23 =	vadd.s32 v26, v27;
	v26 =	vsel vm0, $0x2, v3;
	v36 =	vsel vm0, $0x1, v3;
	v28 =	vld.idx.msk [tilespmem:v28+s2+$0x0], $0xffff  }
0x95: {  	v26 =	vor.u32 v27, v26;
	v23 =	vadd.s32 v36, v23;
	vm0 =	veq.s32 v25, v17  }
0x96: {  	vm1 =	veq.s32 v24, v17;
	v24 =	vsel vm0, $0x4, v3;
	v25 =	vsel vm0, $0x1, v3;
	v27 =	vld.idx.msk [tilespmem:v29+s2+$0x0], $0xffff  }
0x97: {  	v36 =	vsel vm1, $0x1, v3;
	v29 =	vsel vm1, $0x3, v3;
	vm0 =	veq.s32 v21, v17  }
0x98: {  	v23 =	vadd.s32 v36, v23;
	v21 =	vadd.s32 v29, v26;
	v26 =	vsel vm0, $0x5, v3;
	v29 =	vld.idx.msk [tilespmem:v30+s2+$0x0], $0xffff  }
0x99: {  	v23 =	vadd.s32 v25, v23;
	v21 =	vadd.s32 v24, v21;
	v24 =	vsel vm0, $0x1, v3;
	v20 =	vld.idx.msk [tilespmem:v20+s2+$0x0], $0xffff  }
0x9a: {  	v21 =	vadd.s32 v26, v21;
	v23 =	vadd.s32 v24, v23;
	vm0 =	veq.s32 v28, v17  }
0x9b: {  	vm1 =	veq.s32 v22, v17;
	v22 =	vsel vm0, $0x1, v3;
	v24 =	vld.idx.msk [tilespmem:v31+s2+$0x0], $0xffff  }
0x9c: {  	v25 =	vsel vm1, $0x6, v3;
	v26 =	vsel vm1, $0x1, v3;
	v28 =	vsel vm0, $0x7, v3  }
0x9d: {  	v21 =	vadd.s32 v25, v21;
	v23 =	vadd.s32 v26, v23;
	vm0 =	veq.s32 v27, v17;
	v25 =	vld.idx.msk [tilespmem:v32+s2+$0x0], $0xffff  }
0x9e: {  	v21 =	vadd.s32 v28, v21;
	v22 =	vadd.s32 v22, v23;
	v23 =	vsel vm0, $0x1, v3;
	v26 =	vld.idx.msk [tilespmem:v33+s2+$0x0], $0xffff  }
0x9f: {  	v27 =	vsel vm0, $0x8, v3;
	v22 =	vadd.s32 v23, v22;
	vm0 =	veq.s32 v20, v17  }
0xa0: {  	vm1 =	veq.s32 v29, v17;
	v20 =	vadd.s32 v27, v21;
	v21 =	vsel vm0, $0xA, v3;
	v23 =	vld.idx.msk [tilespmem:v34+s2+$0x0], $0xffff  }
0xa1: {  	v27 =	vsel vm1, $0x9, v3;
	v28 =	vsel vm1, $0x1, v3;
	v29 =	vsel vm0, $0x1, v3  }
0xa2: {  	v20 =	vadd.s32 v27, v20;
	v22 =	vadd.s32 v28, v22;
	vm0 =	veq.s32 v24, v17;
	v24 =	vld.idx.msk [tilespmem:v35+s2+$0x0], $0xffff  }
0xa3: {  	v20 =	vadd.s32 v21, v20;
	v21 =	vadd.s32 v29, v22;
	v22 =	vsel vm0, $0x1, v3  }
0xa4: {  	v27 =	vsel vm0, $0xB, v3;
	v21 =	vadd.s32 v22, v21;
	vm0 =	veq.s32 v26, v17  }
0xa5: {  	v20 =	vadd.s32 v27, v20;
	vm1 =	veq.s32 v25, v17;
	v22 =	vsel vm0, $0xD, v3  }
0xa6: {  	v25 =	vsel vm1, $0xC, v3;
	v26 =	vsel vm1, $0x1, v3;
	v27 =	vsel vm0, $0x1, v3  }
0xa7: {  	v20 =	vadd.s32 v25, v20;
	v21 =	vadd.s32 v26, v21;
	vm0 =	veq.s32 v23, v17  }
0xa8: {  	v20 =	vadd.s32 v22, v20;
	v21 =	vadd.s32 v27, v21;
	v22 =	vsel vm0, $0x1, v3  }
0xa9: {  	v23 =	vsel vm0, $0xE, v3;
	v21 =	vadd.s32 v22, v21;
	vm0 =	veq.s32 v24, v17  }
0xaa: {  	v20 =	vadd.s32 v23, v20;
	v22 =	vsel vm0, $0xF, v3;
	v23 =	vsel vm0, $0x1, v3  }
0xab: {  	v20 =	vadd.s32 v22, v20;
	v21 =	vadd.s32 v23, v21  }
0xac: {  	vm0 =	veq.s32 v21, $0x0;
	v21 =	vsub.s32 $0x10, v21  }
0xad: {  	v20 =	vsel vm0, $0x10, v20  }
0xae: {  	vm0 =	veq.s32 v20, $0x0;
	vm1 =	vlt.u32 v20, $0x2;
	vm2 =	vlt.u32 v20, $0x3  }
0xaf: {  	v22 =	vsel vm0, $0x1, v3;
	v23 =	vsel vm1, $0x2, v4;
	v24 =	vsel vm2, $0x3, v5  }
0xb0: {  	v22 =	vor.u32 v22, v19;
	v23 =	vor.u32 v19, v23;
	v24 =	vor.u32 v19, v24  }
0xb1: {  	vm0 =	vlt.u32 v20, $0x4;
	vm1 =	vlt.u32 v20, $0x5;
	vm2 =	vlt.u32 v20, $0x6  }
0xb2: {  	v25 =	vsel vm0, $0x4, v6;
	v26 =	vsel vm1, $0x5, v2;
	v27 =	vsel vm2, $0x6, v7  }
0xb3: {  	v25 =	vor.u32 v19, v25;
	v26 =	vor.u32 v19, v26;
	v27 =	vor.u32 v19, v27;
	[tilespmem:s14+$0x0] =	vst v21  }
0xb4: {  	v18 =	vmul.u32 $0xF, v18;
	vm0 =	vlt.u32 v20, $0x7;
	vm1 =	vlt.u32 v20, $0x8  }
0xb5: {  	v28 =	vsel vm1, $0x8, v9;
	v21 =	vld.idx.msk [tilespmem:v22+s2+$0x0], $0xffff;
	v22 =	vsel vm0, $0x7, v8;
	vm0 =	vlt.u32 v20, $0x9  }
0xb6: {  	v28 =	vor.u32 v19, v28;
	v29 =	vor.u32 v19, v22;
	v22 =	vsel vm0, $0x9, v10  }
0xb7: {  	vm1 =	vlt.u32 v20, $0xB;
	vm0 =	vlt.u32 v20, $0xA;
	v30 =	vor.u32 v19, v22  }
0xb8: {  	v31 =	vsel vm1, $0xB, v12;
	v22 =	vsel vm0, $0xA, v11;
	vm0 =	vlt.u32 v20, $0xC  }
0xb9: {  	v31 =	vor.u32 v19, v31;
	v32 =	vor.u32 v19, v22;
	v22 =	vsel vm0, $0xC, v13  }
0xba: {  	vm1 =	vlt.u32 v20, $0xE;
	vm0 =	vlt.u32 v20, $0xD;
	v22 =	vor.u32 v19, v22  }
0xbb: {  	v33 =	vsel vm1, $0xE, v15;
	[tilespmem:v18+s9+$0x0] =	vst.idx.msk $0xffff, v21;
	v21 =	vsel vm0, $0xD, v14;
	vm0 =	vlt.u32 v20, $0xF  }
0xbc: {  	v20 =	vor.u32 v19, v33;
	[tilespmem:v18+s10+$0x0] =	vst.idx.msk $0xffff, v17;
	v21 =	vor.u32 v19, v21;
	v33 =	vsel vm0, $0xF, v16  }
0xbd: {  	v34 =	vadd.s32 $0x1, v18;
	v23 =	vld.idx.msk [tilespmem:v23+s2+$0x0], $0xffff;
	v19 =	vor.u32 v19, v33;
	_ =	sdelay $0x5  }
0xbe: {  	[tilespmem:v34+s9+$0x0] =	vst.idx.msk $0xffff, v23  }
0xbf: {  	[tilespmem:v34+s10+$0x0] =	vst.idx.msk $0xffff, v17  }
0xc0: {  	v23 =	vld.idx.msk [tilespmem:v24+s2+$0x0], $0xffff;
	v24 =	vadd.s32 $0x2, v18;
	_ =	sdelay $0x5  }
0xc1: {  	[tilespmem:v24+s9+$0x0] =	vst.idx.msk $0xffff, v23  }
0xc2: {  	[tilespmem:v24+s10+$0x0] =	vst.idx.msk $0xffff, v17  }
0xc3: {  	v24 =	vadd.s32 $0x3, v18;
	v23 =	vld.idx.msk [tilespmem:v25+s2+$0x0], $0xffff;
	_ =	sdelay $0x5  }
0xc4: {  	[tilespmem:v24+s9+$0x0] =	vst.idx.msk $0xffff, v23  }
0xc5: {  	[tilespmem:v24+s10+$0x0] =	vst.idx.msk $0xffff, v17  }
0xc6: {  	v24 =	vadd.s32 $0x4, v18;
	v23 =	vld.idx.msk [tilespmem:v26+s2+$0x0], $0xffff;
	_ =	sdelay $0x5  }
0xc7: {  	[tilespmem:v24+s9+$0x0] =	vst.idx.msk $0xffff, v23  }
0xc8: {  	[tilespmem:v24+s10+$0x0] =	vst.idx.msk $0xffff, v17  }
0xc9: {  	v24 =	vadd.s32 $0x5, v18;
	v23 =	vld.idx.msk [tilespmem:v27+s2+$0x0], $0xffff;
	_ =	sdelay $0x5  }
0xca: {  	[tilespmem:v24+s9+$0x0] =	vst.idx.msk $0xffff, v23  }
0xcb: {  	[tilespmem:v24+s10+$0x0] =	vst.idx.msk $0xffff, v17  }
0xcc: {  	v24 =	vadd.s32 $0x6, v18;
	v23 =	vld.idx.msk [tilespmem:v29+s2+$0x0], $0xffff;
	_ =	sdelay $0x5  }
0xcd: {  	[tilespmem:v24+s9+$0x0] =	vst.idx.msk $0xffff, v23  }
0xce: {  	[tilespmem:v24+s10+$0x0] =	vst.idx.msk $0xffff, v17  }
0xcf: {  	v24 =	vadd.s32 $0x7, v18;
	v23 =	vld.idx.msk [tilespmem:v28+s2+$0x0], $0xffff;
	_ =	sdelay $0x5  }
0xd0: {  	[tilespmem:v24+s9+$0x0] =	vst.idx.msk $0xffff, v23  }
0xd1: {  	[tilespmem:v24+s10+$0x0] =	vst.idx.msk $0xffff, v17  }
0xd2: {  	v24 =	vadd.s32 $0x8, v18;
	v23 =	vld.idx.msk [tilespmem:v30+s2+$0x0], $0xffff;
	_ =	sdelay $0x5  }
0xd3: {  	[tilespmem:v24+s9+$0x0] =	vst.idx.msk $0xffff, v23  }
0xd4: {  	[tilespmem:v24+s10+$0x0] =	vst.idx.msk $0xffff, v17  }
0xd5: {  	v24 =	vadd.s32 $0x9, v18;
	v23 =	vld.idx.msk [tilespmem:v32+s2+$0x0], $0xffff;
	_ =	sdelay $0x5  }
0xd6: {  	[tilespmem:v24+s9+$0x0] =	vst.idx.msk $0xffff, v23  }
0xd7: {  	[tilespmem:v24+s10+$0x0] =	vst.idx.msk $0xffff, v17  }
0xd8: {  	v24 =	vadd.s32 $0xA, v18;
	v23 =	vld.idx.msk [tilespmem:v31+s2+$0x0], $0xffff;
	_ =	sdelay $0x5  }
0xd9: {  	[tilespmem:v24+s9+$0x0] =	vst.idx.msk $0xffff, v23  }
0xda: {  	[tilespmem:v24+s10+$0x0] =	vst.idx.msk $0xffff, v17  }
0xdb: {  	v23 =	vadd.s32 $0xB, v18;
	v22 =	vld.idx.msk [tilespmem:v22+s2+$0x0], $0xffff;
	_ =	sdelay $0x5  }
0xdc: {  	[tilespmem:v23+s9+$0x0] =	vst.idx.msk $0xffff, v22  }
0xdd: {  	[tilespmem:v23+s10+$0x0] =	vst.idx.msk $0xffff, v17  }
0xde: {  	v22 =	vadd.s32 $0xC, v18;
	v21 =	vld.idx.msk [tilespmem:v21+s2+$0x0], $0xffff;
	_ =	sdelay $0x3  }
.Ltmp0:
0xdf: {  	(pc) =	sbr.rel @p0 .LBB2_2-.Ltmp0, $4  }
0xe0: {  	_ = 	snop  }
0xe1: {  	[tilespmem:v22+s9+$0x0] =	vst.idx.msk $0xffff, v21  }
0xe2: {  	[tilespmem:v22+s10+$0x0] =	vst.idx.msk $0xffff, v17  }
0xe3: {  	v21 =	vld.idx.msk [tilespmem:v20+s2+$0x0], $0xffff;
	v20 =	vadd.s32 $0xD, v18  }
0xe4: {  	_ =	sdelay $0x3  }
0xe5: {  	[tilespmem:v20+s9+$0x0] =	vst.idx.msk $0xffff, v21  }
0xe6: {  	[tilespmem:v20+s10+$0x0] =	vst.idx.msk $0xffff, v17  }
0xe7: {  	v18 =	vadd.s32 $0xE, v18;
	v19 =	vld.idx.msk [tilespmem:v19+s2+$0x0], $0xffff;
	_ =	sdelay $0x4  }
0xe8: {  	[tilespmem:v18+s9+$0x0] =	vst.idx.msk $0xffff, v19  }
0xe9: {  	[tilespmem:v18+s10+$0x0] =	vst.idx.msk $0xffff, v17  }
0xea: {  	[hbm4b:s4+s2] =	stream.linear.scatter [tilespmem:s9], [sflag:$0x1], $0x12C0, $0x38;
	[tilespmem:$0x3B80] =	vst v63  }
0xeb: {  	_ =	swait.ge [sflag:s8], $0x12C0  }
0xec: {  	[sflag:s8] =	ssyncset.done $0x0  }
0xed: {  	[sflag:s8] =	ssyncadd.s32 $0xFFFFED40  }
0xee: {  	[hbm4b:s5+s2] =	stream.linear.scatter [tilespmem:s10], [sflag:$0x1], $0x12C0, $0x38;
	[tilespmem:$0x3B80] =	vst v63  }
0xef: {  	s12 =	sadd.s32 $0x1, s12;
	_ =	swait.ge [sflag:s8], $0x12C0  }
0xf0: {  	p0 =	sne.s32 s12, s7;
	[sflag:s8] =	ssyncset.done $0x0  }
.Ltmp1:
0xf1: {  	[sflag:s8] =	ssyncadd.s32 $0xFFFFED40;
	(pc) =	sbr.rel @p0 .LBB2_1-.Ltmp1, $4  }
0xf2: {  	[hbm4b:s6+s2] =	stream.linear.scatter [tilespmem:s11], [sflag:$0x1], $0x140, $0x38;
	[tilespmem:$0x3B80] =	vst v63  }
0xf3: {  	_ =	swait.ge [sflag:s8], $0x140  }
0xf4: {  	[sflag:s8] =	ssyncset.done $0x0  }
0xf5: {  	[sflag:s8] =	ssyncadd.s32 $0xFFFFFEC0  }
0xf6: {  	_ =	sfence.sel $0x180000  }
0xf7: {  	[bflag:$0x0] =	sbarrier.arrive $0xFFFF  }
0xf8: {  	p0 =	sne.s32 s0, $0x0;
	_ =	strace $0x90000047  }
0xf9: {  	s0 =	sadd.s32 @!p0 $0x100000, s1;
	[bflag:$0x2] =	sbarrier.arrive $0xFFFF  }
0xfa: {  	[sflag:s0] =	ssyncadd.tile.s32 @!p0 $0x1;
	_ =	shalt  }
.Lfunc_end2:
_tile_overlayer_lowered:
.L_overlay_start_2:
0xfb: {  	(tag) =	ssettag $0x2  }
0xfc: {  	s0 =	rddreg [dreg:$0x0];
	s2 =	stileid.u32  }
0xfd: {  	s1 =	rddreg [dreg:$0x1];
	p0 =	sne.s32 s2, $0x0  }
0xfe: {  	s3 =	rddreg [dreg:$0x2];
	[bflag:$0x3] =	sbarrier.arrive $0xFFFF;
	s2 =	simm.s32 @!p0 $0x1C01  }
0xff: {  	[timem:s3], [sflag:s2] =	dma.local @!p0 [hbm:s0], s1  }
0x100: {  	s0 =	simm.s32 @!p0 $0x1  }
0x101: {  	_ =	swait.ge @!p0 [sflag:s0], s1  }
0x102: {  	s1 =	ssub.s32 @!p0 $0x0, s1;
	[sflag:s0] =	ssyncset.done @!p0 $0x0  }
0x103: {  	[sflag:s0] =	ssyncadd.s32 @!p0 s1  }
0x104: {  	[bflag:$0x3] =	sbarrier.arrive $0xFFFF  }
0x105: {  	_ =	shalt  }

</sc_bundles>
